<compile_context>
chip_gen: v7x
topology: tpu7x:2x2x1
jax: 0.10.2.dev20260603
libtpu: 0.0.44.dev20260713+nightly
codegen_flags: <defaults>
</compile_context>

<pallas_src>
import functools

import jax
import jax.numpy as jnp
from jax import lax
from jax.experimental import pallas as pl
from jax.experimental.pallas import tpu as pltpu
from jax.experimental.pallas import tpu_sc as plsc

_BINS = (-1.1503, -0.6745, -0.3186, 0.0, 0.3186, 0.6745, 1.1503)

_N = 32768
_NW = 32
_CHUNK = _N // _NW
_L = 16
_G = _CHUNK // 128


def _bucketize_body(x_hbm, out_hbm, idx_v, rows_v, r_v, sem):
    c = lax.axis_index("c")
    s = lax.axis_index("s")
    wid = s * 2 + c
    base = wid * _CHUNK

    lane = lax.iota(jnp.int32, _L)
    zero = jnp.zeros((_L,), jnp.int32)

    def idx_group(g, carry):
        r = base + g * _L + lane
        idx_v[g // 8, pl.ds((g % 8) * _L, _L)] = ((r >> 3) << 9) + ((r & 7) << 3)
        return carry

    lax.fori_loop(0, _CHUNK // _L, idx_group, 0, unroll=4)

    cps = [
        pltpu.async_copy(x_hbm.at[idx_v.at[g]], rows_v.at[g], sem)
        for g in range(_G)
    ]
    for cp in cps:
        cp.wait()

    def group(g, carry):
        y = plsc.load_gather(rows_v, [g // 8 + zero, (g % 8) * _L + lane, zero])
        r = jnp.zeros((_L,), jnp.int32)
        for b in _BINS:
            r = r + (y > jnp.float32(b)).astype(jnp.int32)
        r_v[pl.ds(g * _L, _L)] = r
        return carry

    lax.fori_loop(0, _CHUNK // _L, group, 0, unroll=4)

    pltpu.sync_copy(r_v, out_hbm.at[pl.ds(base, _CHUNK)])


def kernel(x):
    xf = (
        x.reshape(8192, 8, 8, 128)
        .transpose(0, 2, 1, 3)
        .reshape(2 * _N * 64, 16)
    )
    mesh = plsc.VectorSubcoreMesh(core_axis_name="c", subcore_axis_name="s")
    run = functools.partial(
        pl.kernel,
        mesh=mesh,
        out_type=jax.ShapeDtypeStruct((_N,), jnp.int32),
        scratch_types=[
            pltpu.VMEM((_G, 128), jnp.int32),
            pltpu.VMEM((_G, 128, 16), jnp.float32),
            pltpu.VMEM((_CHUNK,), jnp.int32),
            pltpu.SemaphoreType.DMA,
        ],
        compiler_params=pltpu.CompilerParams(
            use_tc_tiling_on_sc=False,
            needs_layout_passes=False,
        ),
    )(_bucketize_body)
    return run(xf)

# --- scband reference (transcript-rebuilt; emitter-appended) ---
"""Pipeline reference for scband-dispatch-by-variable-25872882991253 (READ-ONLY COPY).

The authoritative reference and input builder live on the scoring server;
editing this copy changes nothing except your own understanding.
"""

import jax, jax.numpy as jnp
import numpy as np

BINS = [-1.1503, -0.6745, -0.3186, 0.0, 0.3186, 0.6745, 1.1503]
VARIABLE = 0
INDEX = 0

def setup_inputs(seed: int = 0) -> dict:
    key = jax.random.key(seed)
    x = jax.random.normal(key, (2, 32768, 1024), dtype=jnp.float32)
    return {"x": x}

def reference(x):
    # get_binning_variable: x[variable][..., index]
    y = x[VARIABLE][..., INDEX]
    # bucketize(y, bins): result += (y > boundary) for each boundary
    result = jnp.zeros(y.shape, dtype=jnp.int32)
    for boundary in BINS:
        result = result + (y > boundary).astype(jnp.int32)
    return result

if __name__ == "__main__":
    import jax
    _d = setup_inputs()
    print(jax.jit(kernel)(*tuple(_d.values())))

</pallas_src>

<mosaic_0001>
#map = affine_map<(d0, d1) -> (0, 0)>
#map1 = affine_map<(d0, d1) -> (0)>
module attributes {stable_mosaic.version = 14 : i64} {
  func.func @_bucketize_body(%arg0: i32, %arg1: i32, %arg2: memref<4194304x16xf32, #tpu.memory_space<hbm>>, %arg3: memref<32768xi32, #tpu.memory_space<hbm>>, %arg4: memref<8x128xi32, #tpu.memory_space<vmem>>, %arg5: memref<8x128x16xf32, #tpu.memory_space<vmem>>, %arg6: memref<1024xi32, #tpu.memory_space<vmem>>, %arg7: memref<!tpu.dma_semaphore, #tpu.memory_space<semaphore_mem>>) attributes {dimension_semantics = [#tpu.dimension_semantics<core_parallel>, #tpu.dimension_semantics<subcore_parallel>], iteration_bounds = array<i64: 2, 16>, scalar_prefetch = 0 : i64, scratch_operands = 4 : i64, tpu.core_type = #tpu.core_type<sc_vector_subcore>, window_params = [{transform_indices = #map}, {transform_indices = #map1}]} {
    %mul3A = arith.constant 2 : i32
    %mul3A_0 = arith.muli %arg1, %mul3A : i32
    %add3A = arith.addi %mul3A_0, %arg0 : i32
    %mul3A_1 = arith.constant 1024 : i32
    %mul3A_2 = arith.muli %add3A, %mul3A_1 : i32
    %iota3A = tpu.iota {dimensions = array<i32: 0>} : vector<16xi32>
    %broadcast_in_dim3A = arith.constant 0 : i32
    %broadcast_in_dim3A_3 = vector.broadcast %broadcast_in_dim3A : i32 to vector<16xi32>
    %scan3A = arith.constant 0 : i32
    %scan3A_4 = arith.constant 0 : i32
    %scan3A_5 = arith.constant 64 : i32
    %scan3A_6 = arith.addi %scan3A_4, %scan3A_5 : i32
    %scan3A_7 = arith.constant 4 : i32
    scf.for %scan3A_205 = %scan3A_4 to %scan3A_6 step %scan3A_7  : i32 {
      %mul3A_206 = arith.constant 16 : i32
      %mul3A_207 = arith.muli %scan3A_205, %mul3A_206 : i32
      %add3A_208 = arith.addi %mul3A_2, %mul3A_207 : i32
      %add3A_209 = vector.broadcast %add3A_208 : i32 to vector<16xi32>
      %add3A_210 = arith.addi %add3A_209, %iota3A : vector<16xi32>
      %shift_right_arithmetic3A = arith.constant 3 : i32
      %shift_right_arithmetic3A_211 = vector.broadcast %shift_right_arithmetic3A : i32 to vector<16xi32>
      %shift_right_arithmetic3A_212 = arith.shrsi %add3A_210, %shift_right_arithmetic3A_211 : vector<16xi32>
      %shift_left3A = arith.constant 9 : i32
      %shift_left3A_213 = vector.broadcast %shift_left3A : i32 to vector<16xi32>
      %shift_left3A_214 = arith.shli %shift_right_arithmetic3A_212, %shift_left3A_213 : vector<16xi32>
      %and3A = arith.constant 7 : i32
      %and3A_215 = vector.broadcast %and3A : i32 to vector<16xi32>
      %and3A_216 = arith.andi %add3A_210, %and3A_215 : vector<16xi32>
      %shift_left3A_217 = arith.constant 3 : i32
      %shift_left3A_218 = vector.broadcast %shift_left3A_217 : i32 to vector<16xi32>
      %shift_left3A_219 = arith.shli %and3A_216, %shift_left3A_218 : vector<16xi32>
      %add3A_220 = arith.addi %shift_left3A_214, %shift_left3A_219 : vector<16xi32>
      %jit3A = arith.constant 8 : i32
      %div3A = arith.divsi %scan3A_205, %jit3A : i32
      %sign3A = arith.constant 0 : i32
      %sign3A_221 = arith.cmpi sgt, %scan3A_205, %sign3A : i32
      %sign3A_222 = arith.extui %sign3A_221 : i1 to i32
      %sign3A_223 = arith.constant 0 : i32
      %sign3A_224 = arith.cmpi slt, %scan3A_205, %sign3A_223 : i32
      %sign3A_225 = arith.extui %sign3A_224 : i1 to i32
      %sign3A_226 = arith.subi %sign3A_222, %sign3A_225 : i32
      %sign3A_227 = arith.constant 0 : i32
      %sign3A_228 = arith.cmpi sgt, %jit3A, %sign3A_227 : i32
      %sign3A_229 = arith.extui %sign3A_228 : i1 to i32
      %sign3A_230 = arith.constant 0 : i32
      %sign3A_231 = arith.cmpi slt, %jit3A, %sign3A_230 : i32
      %sign3A_232 = arith.extui %sign3A_231 : i1 to i32
      %sign3A_233 = arith.subi %sign3A_229, %sign3A_232 : i32
      %ne3A = arith.cmpi ne, %sign3A_226, %sign3A_233 : i32
      %rem3A = arith.remsi %scan3A_205, %jit3A : i32
      %ne3A_234 = arith.constant 0 : i32
      %ne3A_235 = arith.cmpi ne, %rem3A, %ne3A_234 : i32
      %and3A_236 = arith.andi %ne3A, %ne3A_235 : i1
      %sub3A = arith.constant 1 : i32
      %sub3A_237 = arith.subi %div3A, %sub3A : i32
      %select_n3A = arith.select %and3A_236, %sub3A_237, %div3A : i32
      %jit3A_238 = arith.constant 8 : i32
      %eq3A = arith.constant 0 : i32
      %eq3A_239 = arith.cmpi eq, %jit3A_238, %eq3A : i32
      %jit3A_240 = arith.constant 1 : i32
      %select_n3A_241 = arith.select %eq3A_239, %jit3A_240, %jit3A_238 : i32
      %rem3A_242 = arith.remsi %scan3A_205, %select_n3A_241 : i32
      %ne3A_243 = arith.constant 0 : i32
      %ne3A_244 = arith.cmpi ne, %rem3A_242, %ne3A_243 : i32
      %lt3A = arith.constant 0 : i32
      %lt3A_245 = arith.cmpi slt, %rem3A_242, %lt3A : i32
      %lt3A_246 = arith.constant 0 : i32
      %lt3A_247 = arith.cmpi slt, %select_n3A_241, %lt3A_246 : i32
      %ne3A_248 = arith.xori %lt3A_245, %lt3A_247 : i1
      %and3A_249 = arith.andi %ne3A_248, %ne3A_244 : i1
      %add3A_250 = arith.addi %rem3A_242, %select_n3A_241 : i32
      %select_n3A_251 = arith.select %and3A_249, %add3A_250, %rem3A_242 : i32
      %mul3A_252 = arith.constant 16 : i32
      %mul3A_253 = arith.muli %select_n3A_251, %mul3A_252 : i32
      %swap3A = arith.index_cast %select_n3A : i32 to index
      %swap3A_254 = arith.index_cast %mul3A_253 : i32 to index
      %swap3A_255 = tpu.vector_load %arg4[%swap3A, %swap3A_254] {strides = array<i32>} : memref<8x128xi32, #tpu.memory_space<vmem>>, vector<16xi32>,
      tpu.vector_store %arg4[%swap3A, %swap3A_254], %add3A_220 {strides = array<i32>} : memref<8x128xi32, #tpu.memory_space<vmem>>, vector<16xi32>,
      %scan3A_256 = arith.constant 1 : i32
      %scan3A_257 = arith.addi %scan3A_205, %scan3A_256 : i32
      %mul3A_258 = arith.constant 16 : i32
      %mul3A_259 = arith.muli %scan3A_257, %mul3A_258 : i32
      %add3A_260 = arith.addi %mul3A_2, %mul3A_259 : i32
      %add3A_261 = vector.broadcast %add3A_260 : i32 to vector<16xi32>
      %add3A_262 = arith.addi %add3A_261, %iota3A : vector<16xi32>
      %shift_right_arithmetic3A_263 = arith.constant 3 : i32
      %shift_right_arithmetic3A_264 = vector.broadcast %shift_right_arithmetic3A_263 : i32 to vector<16xi32>
      %shift_right_arithmetic3A_265 = arith.shrsi %add3A_262, %shift_right_arithmetic3A_264 : vector<16xi32>
      %shift_left3A_266 = arith.constant 9 : i32
      %shift_left3A_267 = vector.broadcast %shift_left3A_266 : i32 to vector<16xi32>
      %shift_left3A_268 = arith.shli %shift_right_arithmetic3A_265, %shift_left3A_267 : vector<16xi32>
      %and3A_269 = arith.constant 7 : i32
      %and3A_270 = vector.broadcast %and3A_269 : i32 to vector<16xi32>
      %and3A_271 = arith.andi %add3A_262, %and3A_270 : vector<16xi32>
      %shift_left3A_272 = arith.constant 3 : i32
      %shift_left3A_273 = vector.broadcast %shift_left3A_272 : i32 to vector<16xi32>
      %shift_left3A_274 = arith.shli %and3A_271, %shift_left3A_273 : vector<16xi32>
      %add3A_275 = arith.addi %shift_left3A_268, %shift_left3A_274 : vector<16xi32>
      %jit3A_276 = arith.constant 8 : i32
      %div3A_277 = arith.divsi %scan3A_257, %jit3A_276 : i32
      %sign3A_278 = arith.constant 0 : i32
      %sign3A_279 = arith.cmpi sgt, %scan3A_257, %sign3A_278 : i32
      %sign3A_280 = arith.extui %sign3A_279 : i1 to i32
      %sign3A_281 = arith.constant 0 : i32
      %sign3A_282 = arith.cmpi slt, %scan3A_257, %sign3A_281 : i32
      %sign3A_283 = arith.extui %sign3A_282 : i1 to i32
      %sign3A_284 = arith.subi %sign3A_280, %sign3A_283 : i32
      %sign3A_285 = arith.constant 0 : i32
      %sign3A_286 = arith.cmpi sgt, %jit3A_276, %sign3A_285 : i32
      %sign3A_287 = arith.extui %sign3A_286 : i1 to i32
      %sign3A_288 = arith.constant 0 : i32
      %sign3A_289 = arith.cmpi slt, %jit3A_276, %sign3A_288 : i32
      %sign3A_290 = arith.extui %sign3A_289 : i1 to i32
      %sign3A_291 = arith.subi %sign3A_287, %sign3A_290 : i32
      %ne3A_292 = arith.cmpi ne, %sign3A_284, %sign3A_291 : i32
      %rem3A_293 = arith.remsi %scan3A_257, %jit3A_276 : i32
      %ne3A_294 = arith.constant 0 : i32
      %ne3A_295 = arith.cmpi ne, %rem3A_293, %ne3A_294 : i32
      %and3A_296 = arith.andi %ne3A_292, %ne3A_295 : i1
      %sub3A_297 = arith.constant 1 : i32
      %sub3A_298 = arith.subi %div3A_277, %sub3A_297 : i32
      %select_n3A_299 = arith.select %and3A_296, %sub3A_298, %div3A_277 : i32
      %jit3A_300 = arith.constant 8 : i32
      %eq3A_301 = arith.constant 0 : i32
      %eq3A_302 = arith.cmpi eq, %jit3A_300, %eq3A_301 : i32
      %jit3A_303 = arith.constant 1 : i32
      %select_n3A_304 = arith.select %eq3A_302, %jit3A_303, %jit3A_300 : i32
      %rem3A_305 = arith.remsi %scan3A_257, %select_n3A_304 : i32
      %ne3A_306 = arith.constant 0 : i32
      %ne3A_307 = arith.cmpi ne, %rem3A_305, %ne3A_306 : i32
      %lt3A_308 = arith.constant 0 : i32
      %lt3A_309 = arith.cmpi slt, %rem3A_305, %lt3A_308 : i32
      %lt3A_310 = arith.constant 0 : i32
      %lt3A_311 = arith.cmpi slt, %select_n3A_304, %lt3A_310 : i32
      %ne3A_312 = arith.xori %lt3A_309, %lt3A_311 : i1
      %and3A_313 = arith.andi %ne3A_312, %ne3A_307 : i1
      %add3A_314 = arith.addi %rem3A_305, %select_n3A_304 : i32
      %select_n3A_315 = arith.select %and3A_313, %add3A_314, %rem3A_305 : i32
      %mul3A_316 = arith.constant 16 : i32
      %mul3A_317 = arith.muli %select_n3A_315, %mul3A_316 : i32
      %swap3A_318 = arith.index_cast %select_n3A_299 : i32 to index
      %swap3A_319 = arith.index_cast %mul3A_317 : i32 to index
      %swap3A_320 = tpu.vector_load %arg4[%swap3A_318, %swap3A_319] {strides = array<i32>} : memref<8x128xi32, #tpu.memory_space<vmem>>, vector<16xi32>,
      tpu.vector_store %arg4[%swap3A_318, %swap3A_319], %add3A_275 {strides = array<i32>} : memref<8x128xi32, #tpu.memory_space<vmem>>, vector<16xi32>,
      %scan3A_321 = arith.constant 2 : i32
      %scan3A_322 = arith.addi %scan3A_205, %scan3A_321 : i32
      %mul3A_323 = arith.constant 16 : i32
      %mul3A_324 = arith.muli %scan3A_322, %mul3A_323 : i32
      %add3A_325 = arith.addi %mul3A_2, %mul3A_324 : i32
      %add3A_326 = vector.broadcast %add3A_325 : i32 to vector<16xi32>
      %add3A_327 = arith.addi %add3A_326, %iota3A : vector<16xi32>
      %shift_right_arithmetic3A_328 = arith.constant 3 : i32
      %shift_right_arithmetic3A_329 = vector.broadcast %shift_right_arithmetic3A_328 : i32 to vector<16xi32>
      %shift_right_arithmetic3A_330 = arith.shrsi %add3A_327, %shift_right_arithmetic3A_329 : vector<16xi32>
      %shift_left3A_331 = arith.constant 9 : i32
      %shift_left3A_332 = vector.broadcast %shift_left3A_331 : i32 to vector<16xi32>
      %shift_left3A_333 = arith.shli %shift_right_arithmetic3A_330, %shift_left3A_332 : vector<16xi32>
      %and3A_334 = arith.constant 7 : i32
      %and3A_335 = vector.broadcast %and3A_334 : i32 to vector<16xi32>
      %and3A_336 = arith.andi %add3A_327, %and3A_335 : vector<16xi32>
      %shift_left3A_337 = arith.constant 3 : i32
      %shift_left3A_338 = vector.broadcast %shift_left3A_337 : i32 to vector<16xi32>
      %shift_left3A_339 = arith.shli %and3A_336, %shift_left3A_338 : vector<16xi32>
      %add3A_340 = arith.addi %shift_left3A_333, %shift_left3A_339 : vector<16xi32>
      %jit3A_341 = arith.constant 8 : i32
      %div3A_342 = arith.divsi %scan3A_322, %jit3A_341 : i32
      %sign3A_343 = arith.constant 0 : i32
      %sign3A_344 = arith.cmpi sgt, %scan3A_322, %sign3A_343 : i32
      %sign3A_345 = arith.extui %sign3A_344 : i1 to i32
      %sign3A_346 = arith.constant 0 : i32
      %sign3A_347 = arith.cmpi slt, %scan3A_322, %sign3A_346 : i32
      %sign3A_348 = arith.extui %sign3A_347 : i1 to i32
      %sign3A_349 = arith.subi %sign3A_345, %sign3A_348 : i32
      %sign3A_350 = arith.constant 0 : i32
      %sign3A_351 = arith.cmpi sgt, %jit3A_341, %sign3A_350 : i32
      %sign3A_352 = arith.extui %sign3A_351 : i1 to i32
      %sign3A_353 = arith.constant 0 : i32
      %sign3A_354 = arith.cmpi slt, %jit3A_341, %sign3A_353 : i32
      %sign3A_355 = arith.extui %sign3A_354 : i1 to i32
      %sign3A_356 = arith.subi %sign3A_352, %sign3A_355 : i32
      %ne3A_357 = arith.cmpi ne, %sign3A_349, %sign3A_356 : i32
      %rem3A_358 = arith.remsi %scan3A_322, %jit3A_341 : i32
      %ne3A_359 = arith.constant 0 : i32
      %ne3A_360 = arith.cmpi ne, %rem3A_358, %ne3A_359 : i32
      %and3A_361 = arith.andi %ne3A_357, %ne3A_360 : i1
      %sub3A_362 = arith.constant 1 : i32
      %sub3A_363 = arith.subi %div3A_342, %sub3A_362 : i32
      %select_n3A_364 = arith.select %and3A_361, %sub3A_363, %div3A_342 : i32
      %jit3A_365 = arith.constant 8 : i32
      %eq3A_366 = arith.constant 0 : i32
      %eq3A_367 = arith.cmpi eq, %jit3A_365, %eq3A_366 : i32
      %jit3A_368 = arith.constant 1 : i32
      %select_n3A_369 = arith.select %eq3A_367, %jit3A_368, %jit3A_365 : i32
      %rem3A_370 = arith.remsi %scan3A_322, %select_n3A_369 : i32
      %ne3A_371 = arith.constant 0 : i32
      %ne3A_372 = arith.cmpi ne, %rem3A_370, %ne3A_371 : i32
      %lt3A_373 = arith.constant 0 : i32
      %lt3A_374 = arith.cmpi slt, %rem3A_370, %lt3A_373 : i32
      %lt3A_375 = arith.constant 0 : i32
      %lt3A_376 = arith.cmpi slt, %select_n3A_369, %lt3A_375 : i32
      %ne3A_377 = arith.xori %lt3A_374, %lt3A_376 : i1
      %and3A_378 = arith.andi %ne3A_377, %ne3A_372 : i1
      %add3A_379 = arith.addi %rem3A_370, %select_n3A_369 : i32
      %select_n3A_380 = arith.select %and3A_378, %add3A_379, %rem3A_370 : i32
      %mul3A_381 = arith.constant 16 : i32
      %mul3A_382 = arith.muli %select_n3A_380, %mul3A_381 : i32
      %swap3A_383 = arith.index_cast %select_n3A_364 : i32 to index
      %swap3A_384 = arith.index_cast %mul3A_382 : i32 to index
      %swap3A_385 = tpu.vector_load %arg4[%swap3A_383, %swap3A_384] {strides = array<i32>} : memref<8x128xi32, #tpu.memory_space<vmem>>, vector<16xi32>,
      tpu.vector_store %arg4[%swap3A_383, %swap3A_384], %add3A_340 {strides = array<i32>} : memref<8x128xi32, #tpu.memory_space<vmem>>, vector<16xi32>,
      %scan3A_386 = arith.constant 3 : i32
      %scan3A_387 = arith.addi %scan3A_205, %scan3A_386 : i32
      %mul3A_388 = arith.constant 16 : i32
      %mul3A_389 = arith.muli %scan3A_387, %mul3A_388 : i32
      %add3A_390 = arith.addi %mul3A_2, %mul3A_389 : i32
      %add3A_391 = vector.broadcast %add3A_390 : i32 to vector<16xi32>
      %add3A_392 = arith.addi %add3A_391, %iota3A : vector<16xi32>
      %shift_right_arithmetic3A_393 = arith.constant 3 : i32
      %shift_right_arithmetic3A_394 = vector.broadcast %shift_right_arithmetic3A_393 : i32 to vector<16xi32>
      %shift_right_arithmetic3A_395 = arith.shrsi %add3A_392, %shift_right_arithmetic3A_394 : vector<16xi32>
      %shift_left3A_396 = arith.constant 9 : i32
      %shift_left3A_397 = vector.broadcast %shift_left3A_396 : i32 to vector<16xi32>
      %shift_left3A_398 = arith.shli %shift_right_arithmetic3A_395, %shift_left3A_397 : vector<16xi32>
      %and3A_399 = arith.constant 7 : i32
      %and3A_400 = vector.broadcast %and3A_399 : i32 to vector<16xi32>
      %and3A_401 = arith.andi %add3A_392, %and3A_400 : vector<16xi32>
      %shift_left3A_402 = arith.constant 3 : i32
      %shift_left3A_403 = vector.broadcast %shift_left3A_402 : i32 to vector<16xi32>
      %shift_left3A_404 = arith.shli %and3A_401, %shift_left3A_403 : vector<16xi32>
      %add3A_405 = arith.addi %shift_left3A_398, %shift_left3A_404 : vector<16xi32>
      %jit3A_406 = arith.constant 8 : i32
      %div3A_407 = arith.divsi %scan3A_387, %jit3A_406 : i32
      %sign3A_408 = arith.constant 0 : i32
      %sign3A_409 = arith.cmpi sgt, %scan3A_387, %sign3A_408 : i32
      %sign3A_410 = arith.extui %sign3A_409 : i1 to i32
      %sign3A_411 = arith.constant 0 : i32
      %sign3A_412 = arith.cmpi slt, %scan3A_387, %sign3A_411 : i32
      %sign3A_413 = arith.extui %sign3A_412 : i1 to i32
      %sign3A_414 = arith.subi %sign3A_410, %sign3A_413 : i32
      %sign3A_415 = arith.constant 0 : i32
      %sign3A_416 = arith.cmpi sgt, %jit3A_406, %sign3A_415 : i32
      %sign3A_417 = arith.extui %sign3A_416 : i1 to i32
      %sign3A_418 = arith.constant 0 : i32
      %sign3A_419 = arith.cmpi slt, %jit3A_406, %sign3A_418 : i32
      %sign3A_420 = arith.extui %sign3A_419 : i1 to i32
      %sign3A_421 = arith.subi %sign3A_417, %sign3A_420 : i32
      %ne3A_422 = arith.cmpi ne, %sign3A_414, %sign3A_421 : i32
      %rem3A_423 = arith.remsi %scan3A_387, %jit3A_406 : i32
      %ne3A_424 = arith.constant 0 : i32
      %ne3A_425 = arith.cmpi ne, %rem3A_423, %ne3A_424 : i32
      %and3A_426 = arith.andi %ne3A_422, %ne3A_425 : i1
      %sub3A_427 = arith.constant 1 : i32
      %sub3A_428 = arith.subi %div3A_407, %sub3A_427 : i32
      %select_n3A_429 = arith.select %and3A_426, %sub3A_428, %div3A_407 : i32
      %jit3A_430 = arith.constant 8 : i32
      %eq3A_431 = arith.constant 0 : i32
      %eq3A_432 = arith.cmpi eq, %jit3A_430, %eq3A_431 : i32
      %jit3A_433 = arith.constant 1 : i32
      %select_n3A_434 = arith.select %eq3A_432, %jit3A_433, %jit3A_430 : i32
      %rem3A_435 = arith.remsi %scan3A_387, %select_n3A_434 : i32
      %ne3A_436 = arith.constant 0 : i32
      %ne3A_437 = arith.cmpi ne, %rem3A_435, %ne3A_436 : i32
      %lt3A_438 = arith.constant 0 : i32
      %lt3A_439 = arith.cmpi slt, %rem3A_435, %lt3A_438 : i32
      %lt3A_440 = arith.constant 0 : i32
      %lt3A_441 = arith.cmpi slt, %select_n3A_434, %lt3A_440 : i32
      %ne3A_442 = arith.xori %lt3A_439, %lt3A_441 : i1
      %and3A_443 = arith.andi %ne3A_442, %ne3A_437 : i1
      %add3A_444 = arith.addi %rem3A_435, %select_n3A_434 : i32
      %select_n3A_445 = arith.select %and3A_443, %add3A_444, %rem3A_435 : i32
      %mul3A_446 = arith.constant 16 : i32
      %mul3A_447 = arith.muli %select_n3A_445, %mul3A_446 : i32
      %swap3A_448 = arith.index_cast %select_n3A_429 : i32 to index
      %swap3A_449 = arith.index_cast %mul3A_447 : i32 to index
      %swap3A_450 = tpu.vector_load %arg4[%swap3A_448, %swap3A_449] {strides = array<i32>} : memref<8x128xi32, #tpu.memory_space<vmem>>, vector<16xi32>,
      tpu.vector_store %arg4[%swap3A_448, %swap3A_449], %add3A_405 {strides = array<i32>} : memref<8x128xi32, #tpu.memory_space<vmem>>, vector<16xi32>,
    }
    %scan3A_8 = arith.constant 64 : i32
    %dma_start3A = arith.constant 0 : i32
    %dma_start3A_9 = arith.constant 0 : i32
    %dma_start3A_10 = arith.constant 0 : i32
    %dma_start3A_11 = arith.constant 0 : i32
    %dma_start3A_12 = tpu.memref_slice %arg5[%dma_start3A_9, %dma_start3A_10, %dma_start3A_11] : memref<8x128x16xf32, #tpu.memory_space<vmem>> -> memref<1x128x16xf32, #tpu.memory_space<vmem>>
    %dma_start3A_13 = tpu.memref_squeeze %dma_start3A_12 : memref<1x128x16xf32, #tpu.memory_space<vmem>> -> memref<128x16xf32, #tpu.memory_space<vmem>>
    %dma_start3A_14 = arith.constant 0 : i32
    %dma_start3A_15 = tpu.memref_slice %arg4[%dma_start3A, %dma_start3A_14] : memref<8x128xi32, #tpu.memory_space<vmem>> -> memref<1x128xi32, #tpu.memory_space<vmem>>
    %dma_start3A_16 = tpu.memref_squeeze %dma_start3A_15 : memref<1x128xi32, #tpu.memory_space<vmem>> -> memref<128xi32, #tpu.memory_space<vmem>>
    %dma_start3A_17 = arith.constant 0 : i32
    %dma_start3A_18 = arith.constant 0 : i32
    %dma_start3A_19 = tpu.memref_slice %arg2[%dma_start3A_17, %dma_start3A_18] : memref<4194304x16xf32, #tpu.memory_space<hbm>> -> memref<4194304x16xf32, #tpu.memory_space<hbm>>
    tpu.enqueue_indirect_dma source(%dma_start3A_19 : memref<4194304x16xf32, #tpu.memory_space<hbm>>) target(%dma_start3A_13 : memref<128x16xf32, #tpu.memory_space<vmem>>) offsets(%dma_start3A_16 : memref<128xi32, #tpu.memory_space<vmem>>) semaphore(%arg7 : memref<!tpu.dma_semaphore, #tpu.memory_space<semaphore_mem>>)
    %dma_start3A_20 = arith.constant 1 : i32
    %dma_start3A_21 = arith.constant 1 : i32
    %dma_start3A_22 = arith.constant 0 : i32
    %dma_start3A_23 = arith.constant 0 : i32
    %dma_start3A_24 = tpu.memref_slice %arg5[%dma_start3A_21, %dma_start3A_22, %dma_start3A_23] : memref<8x128x16xf32, #tpu.memory_space<vmem>> -> memref<1x128x16xf32, #tpu.memory_space<vmem>>
    %dma_start3A_25 = tpu.memref_squeeze %dma_start3A_24 : memref<1x128x16xf32, #tpu.memory_space<vmem>> -> memref<128x16xf32, #tpu.memory_space<vmem>>
    %dma_start3A_26 = arith.constant 0 : i32
    %dma_start3A_27 = tpu.memref_slice %arg4[%dma_start3A_20, %dma_start3A_26] : memref<8x128xi32, #tpu.memory_space<vmem>> -> memref<1x128xi32, #tpu.memory_space<vmem>>
    %dma_start3A_28 = tpu.memref_squeeze %dma_start3A_27 : memref<1x128xi32, #tpu.memory_space<vmem>> -> memref<128xi32, #tpu.memory_space<vmem>>
    %dma_start3A_29 = arith.constant 0 : i32
    %dma_start3A_30 = arith.constant 0 : i32
    %dma_start3A_31 = tpu.memref_slice %arg2[%dma_start3A_29, %dma_start3A_30] : memref<4194304x16xf32, #tpu.memory_space<hbm>> -> memref<4194304x16xf32, #tpu.memory_space<hbm>>
    tpu.enqueue_indirect_dma source(%dma_start3A_31 : memref<4194304x16xf32, #tpu.memory_space<hbm>>) target(%dma_start3A_25 : memref<128x16xf32, #tpu.memory_space<vmem>>) offsets(%dma_start3A_28 : memref<128xi32, #tpu.memory_space<vmem>>) semaphore(%arg7 : memref<!tpu.dma_semaphore, #tpu.memory_space<semaphore_mem>>)
    %dma_start3A_32 = arith.constant 2 : i32
    %dma_start3A_33 = arith.constant 2 : i32
    %dma_start3A_34 = arith.constant 0 : i32
    %dma_start3A_35 = arith.constant 0 : i32
    %dma_start3A_36 = tpu.memref_slice %arg5[%dma_start3A_33, %dma_start3A_34, %dma_start3A_35] : memref<8x128x16xf32, #tpu.memory_space<vmem>> -> memref<1x128x16xf32, #tpu.memory_space<vmem>>
    %dma_start3A_37 = tpu.memref_squeeze %dma_start3A_36 : memref<1x128x16xf32, #tpu.memory_space<vmem>> -> memref<128x16xf32, #tpu.memory_space<vmem>>
    %dma_start3A_38 = arith.constant 0 : i32
    %dma_start3A_39 = tpu.memref_slice %arg4[%dma_start3A_32, %dma_start3A_38] : memref<8x128xi32, #tpu.memory_space<vmem>> -> memref<1x128xi32, #tpu.memory_space<vmem>>
    %dma_start3A_40 = tpu.memref_squeeze %dma_start3A_39 : memref<1x128xi32, #tpu.memory_space<vmem>> -> memref<128xi32, #tpu.memory_space<vmem>>
    %dma_start3A_41 = arith.constant 0 : i32
    %dma_start3A_42 = arith.constant 0 : i32
    %dma_start3A_43 = tpu.memref_slice %arg2[%dma_start3A_41, %dma_start3A_42] : memref<4194304x16xf32, #tpu.memory_space<hbm>> -> memref<4194304x16xf32, #tpu.memory_space<hbm>>
    tpu.enqueue_indirect_dma source(%dma_start3A_43 : memref<4194304x16xf32, #tpu.memory_space<hbm>>) target(%dma_start3A_37 : memref<128x16xf32, #tpu.memory_space<vmem>>) offsets(%dma_start3A_40 : memref<128xi32, #tpu.memory_space<vmem>>) semaphore(%arg7 : memref<!tpu.dma_semaphore, #tpu.memory_space<semaphore_mem>>)
    %dma_start3A_44 = arith.constant 3 : i32
    %dma_start3A_45 = arith.constant 3 : i32
    %dma_start3A_46 = arith.constant 0 : i32
    %dma_start3A_47 = arith.constant 0 : i32
    %dma_start3A_48 = tpu.memref_slice %arg5[%dma_start3A_45, %dma_start3A_46, %dma_start3A_47] : memref<8x128x16xf32, #tpu.memory_space<vmem>> -> memref<1x128x16xf32, #tpu.memory_space<vmem>>
    %dma_start3A_49 = tpu.memref_squeeze %dma_start3A_48 : memref<1x128x16xf32, #tpu.memory_space<vmem>> -> memref<128x16xf32, #tpu.memory_space<vmem>>
    %dma_start3A_50 = arith.constant 0 : i32
    %dma_start3A_51 = tpu.memref_slice %arg4[%dma_start3A_44, %dma_start3A_50] : memref<8x128xi32, #tpu.memory_space<vmem>> -> memref<1x128xi32, #tpu.memory_space<vmem>>
    %dma_start3A_52 = tpu.memref_squeeze %dma_start3A_51 : memref<1x128xi32, #tpu.memory_space<vmem>> -> memref<128xi32, #tpu.memory_space<vmem>>
    %dma_start3A_53 = arith.constant 0 : i32
    %dma_start3A_54 = arith.constant 0 : i32
    %dma_start3A_55 = tpu.memref_slice %arg2[%dma_start3A_53, %dma_start3A_54] : memref<4194304x16xf32, #tpu.memory_space<hbm>> -> memref<4194304x16xf32, #tpu.memory_space<hbm>>
    tpu.enqueue_indirect_dma source(%dma_start3A_55 : memref<4194304x16xf32, #tpu.memory_space<hbm>>) target(%dma_start3A_49 : memref<128x16xf32, #tpu.memory_space<vmem>>) offsets(%dma_start3A_52 : memref<128xi32, #tpu.memory_space<vmem>>) semaphore(%arg7 : memref<!tpu.dma_semaphore, #tpu.memory_space<semaphore_mem>>)
    %dma_start3A_56 = arith.constant 4 : i32
    %dma_start3A_57 = arith.constant 4 : i32
    %dma_start3A_58 = arith.constant 0 : i32
    %dma_start3A_59 = arith.constant 0 : i32
    %dma_start3A_60 = tpu.memref_slice %arg5[%dma_start3A_57, %dma_start3A_58, %dma_start3A_59] : memref<8x128x16xf32, #tpu.memory_space<vmem>> -> memref<1x128x16xf32, #tpu.memory_space<vmem>>
    %dma_start3A_61 = tpu.memref_squeeze %dma_start3A_60 : memref<1x128x16xf32, #tpu.memory_space<vmem>> -> memref<128x16xf32, #tpu.memory_space<vmem>>
    %dma_start3A_62 = arith.constant 0 : i32
    %dma_start3A_63 = tpu.memref_slice %arg4[%dma_start3A_56, %dma_start3A_62] : memref<8x128xi32, #tpu.memory_space<vmem>> -> memref<1x128xi32, #tpu.memory_space<vmem>>
    %dma_start3A_64 = tpu.memref_squeeze %dma_start3A_63 : memref<1x128xi32, #tpu.memory_space<vmem>> -> memref<128xi32, #tpu.memory_space<vmem>>
    %dma_start3A_65 = arith.constant 0 : i32
    %dma_start3A_66 = arith.constant 0 : i32
    %dma_start3A_67 = tpu.memref_slice %arg2[%dma_start3A_65, %dma_start3A_66] : memref<4194304x16xf32, #tpu.memory_space<hbm>> -> memref<4194304x16xf32, #tpu.memory_space<hbm>>
    tpu.enqueue_indirect_dma source(%dma_start3A_67 : memref<4194304x16xf32, #tpu.memory_space<hbm>>) target(%dma_start3A_61 : memref<128x16xf32, #tpu.memory_space<vmem>>) offsets(%dma_start3A_64 : memref<128xi32, #tpu.memory_space<vmem>>) semaphore(%arg7 : memref<!tpu.dma_semaphore, #tpu.memory_space<semaphore_mem>>)
    %dma_start3A_68 = arith.constant 5 : i32
    %dma_start3A_69 = arith.constant 5 : i32
    %dma_start3A_70 = arith.constant 0 : i32
    %dma_start3A_71 = arith.constant 0 : i32
    %dma_start3A_72 = tpu.memref_slice %arg5[%dma_start3A_69, %dma_start3A_70, %dma_start3A_71] : memref<8x128x16xf32, #tpu.memory_space<vmem>> -> memref<1x128x16xf32, #tpu.memory_space<vmem>>
    %dma_start3A_73 = tpu.memref_squeeze %dma_start3A_72 : memref<1x128x16xf32, #tpu.memory_space<vmem>> -> memref<128x16xf32, #tpu.memory_space<vmem>>
    %dma_start3A_74 = arith.constant 0 : i32
    %dma_start3A_75 = tpu.memref_slice %arg4[%dma_start3A_68, %dma_start3A_74] : memref<8x128xi32, #tpu.memory_space<vmem>> -> memref<1x128xi32, #tpu.memory_space<vmem>>
    %dma_start3A_76 = tpu.memref_squeeze %dma_start3A_75 : memref<1x128xi32, #tpu.memory_space<vmem>> -> memref<128xi32, #tpu.memory_space<vmem>>
    %dma_start3A_77 = arith.constant 0 : i32
    %dma_start3A_78 = arith.constant 0 : i32
    %dma_start3A_79 = tpu.memref_slice %arg2[%dma_start3A_77, %dma_start3A_78] : memref<4194304x16xf32, #tpu.memory_space<hbm>> -> memref<4194304x16xf32, #tpu.memory_space<hbm>>
    tpu.enqueue_indirect_dma source(%dma_start3A_79 : memref<4194304x16xf32, #tpu.memory_space<hbm>>) target(%dma_start3A_73 : memref<128x16xf32, #tpu.memory_space<vmem>>) offsets(%dma_start3A_76 : memref<128xi32, #tpu.memory_space<vmem>>) semaphore(%arg7 : memref<!tpu.dma_semaphore, #tpu.memory_space<semaphore_mem>>)
    %dma_start3A_80 = arith.constant 6 : i32
    %dma_start3A_81 = arith.constant 6 : i32
    %dma_start3A_82 = arith.constant 0 : i32
    %dma_start3A_83 = arith.constant 0 : i32
    %dma_start3A_84 = tpu.memref_slice %arg5[%dma_start3A_81, %dma_start3A_82, %dma_start3A_83] : memref<8x128x16xf32, #tpu.memory_space<vmem>> -> memref<1x128x16xf32, #tpu.memory_space<vmem>>
    %dma_start3A_85 = tpu.memref_squeeze %dma_start3A_84 : memref<1x128x16xf32, #tpu.memory_space<vmem>> -> memref<128x16xf32, #tpu.memory_space<vmem>>
    %dma_start3A_86 = arith.constant 0 : i32
    %dma_start3A_87 = tpu.memref_slice %arg4[%dma_start3A_80, %dma_start3A_86] : memref<8x128xi32, #tpu.memory_space<vmem>> -> memref<1x128xi32, #tpu.memory_space<vmem>>
    %dma_start3A_88 = tpu.memref_squeeze %dma_start3A_87 : memref<1x128xi32, #tpu.memory_space<vmem>> -> memref<128xi32, #tpu.memory_space<vmem>>
    %dma_start3A_89 = arith.constant 0 : i32
    %dma_start3A_90 = arith.constant 0 : i32
    %dma_start3A_91 = tpu.memref_slice %arg2[%dma_start3A_89, %dma_start3A_90] : memref<4194304x16xf32, #tpu.memory_space<hbm>> -> memref<4194304x16xf32, #tpu.memory_space<hbm>>
    tpu.enqueue_indirect_dma source(%dma_start3A_91 : memref<4194304x16xf32, #tpu.memory_space<hbm>>) target(%dma_start3A_85 : memref<128x16xf32, #tpu.memory_space<vmem>>) offsets(%dma_start3A_88 : memref<128xi32, #tpu.memory_space<vmem>>) semaphore(%arg7 : memref<!tpu.dma_semaphore, #tpu.memory_space<semaphore_mem>>)
    %dma_start3A_92 = arith.constant 7 : i32
    %dma_start3A_93 = arith.constant 7 : i32
    %dma_start3A_94 = arith.constant 0 : i32
    %dma_start3A_95 = arith.constant 0 : i32
    %dma_start3A_96 = tpu.memref_slice %arg5[%dma_start3A_93, %dma_start3A_94, %dma_start3A_95] : memref<8x128x16xf32, #tpu.memory_space<vmem>> -> memref<1x128x16xf32, #tpu.memory_space<vmem>>
    %dma_start3A_97 = tpu.memref_squeeze %dma_start3A_96 : memref<1x128x16xf32, #tpu.memory_space<vmem>> -> memref<128x16xf32, #tpu.memory_space<vmem>>
    %dma_start3A_98 = arith.constant 0 : i32
    %dma_start3A_99 = tpu.memref_slice %arg4[%dma_start3A_92, %dma_start3A_98] : memref<8x128xi32, #tpu.memory_space<vmem>> -> memref<1x128xi32, #tpu.memory_space<vmem>>
    %dma_start3A_100 = tpu.memref_squeeze %dma_start3A_99 : memref<1x128xi32, #tpu.memory_space<vmem>> -> memref<128xi32, #tpu.memory_space<vmem>>
    %dma_start3A_101 = arith.constant 0 : i32
    %dma_start3A_102 = arith.constant 0 : i32
    %dma_start3A_103 = tpu.memref_slice %arg2[%dma_start3A_101, %dma_start3A_102] : memref<4194304x16xf32, #tpu.memory_space<hbm>> -> memref<4194304x16xf32, #tpu.memory_space<hbm>>
    tpu.enqueue_indirect_dma source(%dma_start3A_103 : memref<4194304x16xf32, #tpu.memory_space<hbm>>) target(%dma_start3A_97 : memref<128x16xf32, #tpu.memory_space<vmem>>) offsets(%dma_start3A_100 : memref<128xi32, #tpu.memory_space<vmem>>) semaphore(%arg7 : memref<!tpu.dma_semaphore, #tpu.memory_space<semaphore_mem>>)
    %dma_wait3A = arith.constant 0 : i32
    %dma_wait3A_104 = arith.constant 0 : i32
    %dma_wait3A_105 = arith.constant 0 : i32
    %dma_wait3A_106 = arith.constant 0 : i32
    %dma_wait3A_107 = tpu.memref_slice %arg5[%dma_wait3A_104, %dma_wait3A_105, %dma_wait3A_106] : memref<8x128x16xf32, #tpu.memory_space<vmem>> -> memref<1x128x16xf32, #tpu.memory_space<vmem>>
    %dma_wait3A_108 = tpu.memref_squeeze %dma_wait3A_107 : memref<1x128x16xf32, #tpu.memory_space<vmem>> -> memref<128x16xf32, #tpu.memory_space<vmem>>
    %dma_wait3A_109 = arith.constant 0 : i32
    %dma_wait3A_110 = tpu.memref_slice %arg4[%dma_wait3A, %dma_wait3A_109] : memref<8x128xi32, #tpu.memory_space<vmem>> -> memref<1x128xi32, #tpu.memory_space<vmem>>
    %dma_wait3A_111 = tpu.memref_squeeze %dma_wait3A_110 : memref<1x128xi32, #tpu.memory_space<vmem>> -> memref<128xi32, #tpu.memory_space<vmem>>
    %dma_wait3A_112 = arith.constant 0 : i32
    %dma_wait3A_113 = arith.constant 0 : i32
    %dma_wait3A_114 = tpu.memref_slice %arg2[%dma_wait3A_112, %dma_wait3A_113] : memref<4194304x16xf32, #tpu.memory_space<hbm>> -> memref<4194304x16xf32, #tpu.memory_space<hbm>>
    tpu.wait_indirect_dma semaphore(%arg7 : memref<!tpu.dma_semaphore, #tpu.memory_space<semaphore_mem>>) src(%dma_wait3A_114 : memref<4194304x16xf32, #tpu.memory_space<hbm>>) dst(%dma_wait3A_108 : memref<128x16xf32, #tpu.memory_space<vmem>>)
    %dma_wait3A_115 = arith.constant 1 : i32
    %dma_wait3A_116 = arith.constant 1 : i32
    %dma_wait3A_117 = arith.constant 0 : i32
    %dma_wait3A_118 = arith.constant 0 : i32
    %dma_wait3A_119 = tpu.memref_slice %arg5[%dma_wait3A_116, %dma_wait3A_117, %dma_wait3A_118] : memref<8x128x16xf32, #tpu.memory_space<vmem>> -> memref<1x128x16xf32, #tpu.memory_space<vmem>>
    %dma_wait3A_120 = tpu.memref_squeeze %dma_wait3A_119 : memref<1x128x16xf32, #tpu.memory_space<vmem>> -> memref<128x16xf32, #tpu.memory_space<vmem>>
    %dma_wait3A_121 = arith.constant 0 : i32
    %dma_wait3A_122 = tpu.memref_slice %arg4[%dma_wait3A_115, %dma_wait3A_121] : memref<8x128xi32, #tpu.memory_space<vmem>> -> memref<1x128xi32, #tpu.memory_space<vmem>>
    %dma_wait3A_123 = tpu.memref_squeeze %dma_wait3A_122 : memref<1x128xi32, #tpu.memory_space<vmem>> -> memref<128xi32, #tpu.memory_space<vmem>>
    %dma_wait3A_124 = arith.constant 0 : i32
    %dma_wait3A_125 = arith.constant 0 : i32
    %dma_wait3A_126 = tpu.memref_slice %arg2[%dma_wait3A_124, %dma_wait3A_125] : memref<4194304x16xf32, #tpu.memory_space<hbm>> -> memref<4194304x16xf32, #tpu.memory_space<hbm>>
    tpu.wait_indirect_dma semaphore(%arg7 : memref<!tpu.dma_semaphore, #tpu.memory_space<semaphore_mem>>) src(%dma_wait3A_126 : memref<4194304x16xf32, #tpu.memory_space<hbm>>) dst(%dma_wait3A_120 : memref<128x16xf32, #tpu.memory_space<vmem>>)
    %dma_wait3A_127 = arith.constant 2 : i32
    %dma_wait3A_128 = arith.constant 2 : i32
    %dma_wait3A_129 = arith.constant 0 : i32
    %dma_wait3A_130 = arith.constant 0 : i32
    %dma_wait3A_131 = tpu.memref_slice %arg5[%dma_wait3A_128, %dma_wait3A_129, %dma_wait3A_130] : memref<8x128x16xf32, #tpu.memory_space<vmem>> -> memref<1x128x16xf32, #tpu.memory_space<vmem>>
    %dma_wait3A_132 = tpu.memref_squeeze %dma_wait3A_131 : memref<1x128x16xf32, #tpu.memory_space<vmem>> -> memref<128x16xf32, #tpu.memory_space<vmem>>
    %dma_wait3A_133 = arith.constant 0 : i32
    %dma_wait3A_134 = tpu.memref_slice %arg4[%dma_wait3A_127, %dma_wait3A_133] : memref<8x128xi32, #tpu.memory_space<vmem>> -> memref<1x128xi32, #tpu.memory_space<vmem>>
    %dma_wait3A_135 = tpu.memref_squeeze %dma_wait3A_134 : memref<1x128xi32, #tpu.memory_space<vmem>> -> memref<128xi32, #tpu.memory_space<vmem>>
    %dma_wait3A_136 = arith.constant 0 : i32
    %dma_wait3A_137 = arith.constant 0 : i32
    %dma_wait3A_138 = tpu.memref_slice %arg2[%dma_wait3A_136, %dma_wait3A_137] : memref<4194304x16xf32, #tpu.memory_space<hbm>> -> memref<4194304x16xf32, #tpu.memory_space<hbm>>
    tpu.wait_indirect_dma semaphore(%arg7 : memref<!tpu.dma_semaphore, #tpu.memory_space<semaphore_mem>>) src(%dma_wait3A_138 : memref<4194304x16xf32, #tpu.memory_space<hbm>>) dst(%dma_wait3A_132 : memref<128x16xf32, #tpu.memory_space<vmem>>)
    %dma_wait3A_139 = arith.constant 3 : i32
    %dma_wait3A_140 = arith.constant 3 : i32
    %dma_wait3A_141 = arith.constant 0 : i32
    %dma_wait3A_142 = arith.constant 0 : i32
    %dma_wait3A_143 = tpu.memref_slice %arg5[%dma_wait3A_140, %dma_wait3A_141, %dma_wait3A_142] : memref<8x128x16xf32, #tpu.memory_space<vmem>> -> memref<1x128x16xf32, #tpu.memory_space<vmem>>
    %dma_wait3A_144 = tpu.memref_squeeze %dma_wait3A_143 : memref<1x128x16xf32, #tpu.memory_space<vmem>> -> memref<128x16xf32, #tpu.memory_space<vmem>>
    %dma_wait3A_145 = arith.constant 0 : i32
    %dma_wait3A_146 = tpu.memref_slice %arg4[%dma_wait3A_139, %dma_wait3A_145] : memref<8x128xi32, #tpu.memory_space<vmem>> -> memref<1x128xi32, #tpu.memory_space<vmem>>
    %dma_wait3A_147 = tpu.memref_squeeze %dma_wait3A_146 : memref<1x128xi32, #tpu.memory_space<vmem>> -> memref<128xi32, #tpu.memory_space<vmem>>
    %dma_wait3A_148 = arith.constant 0 : i32
    %dma_wait3A_149 = arith.constant 0 : i32
    %dma_wait3A_150 = tpu.memref_slice %arg2[%dma_wait3A_148, %dma_wait3A_149] : memref<4194304x16xf32, #tpu.memory_space<hbm>> -> memref<4194304x16xf32, #tpu.memory_space<hbm>>
    tpu.wait_indirect_dma semaphore(%arg7 : memref<!tpu.dma_semaphore, #tpu.memory_space<semaphore_mem>>) src(%dma_wait3A_150 : memref<4194304x16xf32, #tpu.memory_space<hbm>>) dst(%dma_wait3A_144 : memref<128x16xf32, #tpu.memory_space<vmem>>)
    %dma_wait3A_151 = arith.constant 4 : i32
    %dma_wait3A_152 = arith.constant 4 : i32
    %dma_wait3A_153 = arith.constant 0 : i32
    %dma_wait3A_154 = arith.constant 0 : i32
    %dma_wait3A_155 = tpu.memref_slice %arg5[%dma_wait3A_152, %dma_wait3A_153, %dma_wait3A_154] : memref<8x128x16xf32, #tpu.memory_space<vmem>> -> memref<1x128x16xf32, #tpu.memory_space<vmem>>
    %dma_wait3A_156 = tpu.memref_squeeze %dma_wait3A_155 : memref<1x128x16xf32, #tpu.memory_space<vmem>> -> memref<128x16xf32, #tpu.memory_space<vmem>>
    %dma_wait3A_157 = arith.constant 0 : i32
    %dma_wait3A_158 = tpu.memref_slice %arg4[%dma_wait3A_151, %dma_wait3A_157] : memref<8x128xi32, #tpu.memory_space<vmem>> -> memref<1x128xi32, #tpu.memory_space<vmem>>
    %dma_wait3A_159 = tpu.memref_squeeze %dma_wait3A_158 : memref<1x128xi32, #tpu.memory_space<vmem>> -> memref<128xi32, #tpu.memory_space<vmem>>
    %dma_wait3A_160 = arith.constant 0 : i32
    %dma_wait3A_161 = arith.constant 0 : i32
    %dma_wait3A_162 = tpu.memref_slice %arg2[%dma_wait3A_160, %dma_wait3A_161] : memref<4194304x16xf32, #tpu.memory_space<hbm>> -> memref<4194304x16xf32, #tpu.memory_space<hbm>>
    tpu.wait_indirect_dma semaphore(%arg7 : memref<!tpu.dma_semaphore, #tpu.memory_space<semaphore_mem>>) src(%dma_wait3A_162 : memref<4194304x16xf32, #tpu.memory_space<hbm>>) dst(%dma_wait3A_156 : memref<128x16xf32, #tpu.memory_space<vmem>>)
    %dma_wait3A_163 = arith.constant 5 : i32
    %dma_wait3A_164 = arith.constant 5 : i32
    %dma_wait3A_165 = arith.constant 0 : i32
    %dma_wait3A_166 = arith.constant 0 : i32
    %dma_wait3A_167 = tpu.memref_slice %arg5[%dma_wait3A_164, %dma_wait3A_165, %dma_wait3A_166] : memref<8x128x16xf32, #tpu.memory_space<vmem>> -> memref<1x128x16xf32, #tpu.memory_space<vmem>>
    %dma_wait3A_168 = tpu.memref_squeeze %dma_wait3A_167 : memref<1x128x16xf32, #tpu.memory_space<vmem>> -> memref<128x16xf32, #tpu.memory_space<vmem>>
    %dma_wait3A_169 = arith.constant 0 : i32
    %dma_wait3A_170 = tpu.memref_slice %arg4[%dma_wait3A_163, %dma_wait3A_169] : memref<8x128xi32, #tpu.memory_space<vmem>> -> memref<1x128xi32, #tpu.memory_space<vmem>>
    %dma_wait3A_171 = tpu.memref_squeeze %dma_wait3A_170 : memref<1x128xi32, #tpu.memory_space<vmem>> -> memref<128xi32, #tpu.memory_space<vmem>>
    %dma_wait3A_172 = arith.constant 0 : i32
    %dma_wait3A_173 = arith.constant 0 : i32
    %dma_wait3A_174 = tpu.memref_slice %arg2[%dma_wait3A_172, %dma_wait3A_173] : memref<4194304x16xf32, #tpu.memory_space<hbm>> -> memref<4194304x16xf32, #tpu.memory_space<hbm>>
    tpu.wait_indirect_dma semaphore(%arg7 : memref<!tpu.dma_semaphore, #tpu.memory_space<semaphore_mem>>) src(%dma_wait3A_174 : memref<4194304x16xf32, #tpu.memory_space<hbm>>) dst(%dma_wait3A_168 : memref<128x16xf32, #tpu.memory_space<vmem>>)
    %dma_wait3A_175 = arith.constant 6 : i32
    %dma_wait3A_176 = arith.constant 6 : i32
    %dma_wait3A_177 = arith.constant 0 : i32
    %dma_wait3A_178 = arith.constant 0 : i32
    %dma_wait3A_179 = tpu.memref_slice %arg5[%dma_wait3A_176, %dma_wait3A_177, %dma_wait3A_178] : memref<8x128x16xf32, #tpu.memory_space<vmem>> -> memref<1x128x16xf32, #tpu.memory_space<vmem>>
    %dma_wait3A_180 = tpu.memref_squeeze %dma_wait3A_179 : memref<1x128x16xf32, #tpu.memory_space<vmem>> -> memref<128x16xf32, #tpu.memory_space<vmem>>
    %dma_wait3A_181 = arith.constant 0 : i32
    %dma_wait3A_182 = tpu.memref_slice %arg4[%dma_wait3A_175, %dma_wait3A_181] : memref<8x128xi32, #tpu.memory_space<vmem>> -> memref<1x128xi32, #tpu.memory_space<vmem>>
    %dma_wait3A_183 = tpu.memref_squeeze %dma_wait3A_182 : memref<1x128xi32, #tpu.memory_space<vmem>> -> memref<128xi32, #tpu.memory_space<vmem>>
    %dma_wait3A_184 = arith.constant 0 : i32
    %dma_wait3A_185 = arith.constant 0 : i32
    %dma_wait3A_186 = tpu.memref_slice %arg2[%dma_wait3A_184, %dma_wait3A_185] : memref<4194304x16xf32, #tpu.memory_space<hbm>> -> memref<4194304x16xf32, #tpu.memory_space<hbm>>
    tpu.wait_indirect_dma semaphore(%arg7 : memref<!tpu.dma_semaphore, #tpu.memory_space<semaphore_mem>>) src(%dma_wait3A_186 : memref<4194304x16xf32, #tpu.memory_space<hbm>>) dst(%dma_wait3A_180 : memref<128x16xf32, #tpu.memory_space<vmem>>)
    %dma_wait3A_187 = arith.constant 7 : i32
    %dma_wait3A_188 = arith.constant 7 : i32
    %dma_wait3A_189 = arith.constant 0 : i32
    %dma_wait3A_190 = arith.constant 0 : i32
    %dma_wait3A_191 = tpu.memref_slice %arg5[%dma_wait3A_188, %dma_wait3A_189, %dma_wait3A_190] : memref<8x128x16xf32, #tpu.memory_space<vmem>> -> memref<1x128x16xf32, #tpu.memory_space<vmem>>
    %dma_wait3A_192 = tpu.memref_squeeze %dma_wait3A_191 : memref<1x128x16xf32, #tpu.memory_space<vmem>> -> memref<128x16xf32, #tpu.memory_space<vmem>>
    %dma_wait3A_193 = arith.constant 0 : i32
    %dma_wait3A_194 = tpu.memref_slice %arg4[%dma_wait3A_187, %dma_wait3A_193] : memref<8x128xi32, #tpu.memory_space<vmem>> -> memref<1x128xi32, #tpu.memory_space<vmem>>
    %dma_wait3A_195 = tpu.memref_squeeze %dma_wait3A_194 : memref<1x128xi32, #tpu.memory_space<vmem>> -> memref<128xi32, #tpu.memory_space<vmem>>
    %dma_wait3A_196 = arith.constant 0 : i32
    %dma_wait3A_197 = arith.constant 0 : i32
    %dma_wait3A_198 = tpu.memref_slice %arg2[%dma_wait3A_196, %dma_wait3A_197] : memref<4194304x16xf32, #tpu.memory_space<hbm>> -> memref<4194304x16xf32, #tpu.memory_space<hbm>>
    tpu.wait_indirect_dma semaphore(%arg7 : memref<!tpu.dma_semaphore, #tpu.memory_space<semaphore_mem>>) src(%dma_wait3A_198 : memref<4194304x16xf32, #tpu.memory_space<hbm>>) dst(%dma_wait3A_192 : memref<128x16xf32, #tpu.memory_space<vmem>>)
    %scan3A_199 = arith.constant 0 : i32
    %scan3A_200 = arith.constant 0 : i32
    %scan3A_201 = arith.constant 64 : i32
    %scan3A_202 = arith.addi %scan3A_200, %scan3A_201 : i32
    %scan3A_203 = arith.constant 4 : i32
    scf.for %scan3A_205 = %scan3A_200 to %scan3A_202 step %scan3A_203  : i32 {
      %jit3A = arith.constant 8 : i32
      %div3A = arith.divsi %scan3A_205, %jit3A : i32
      %sign3A = arith.constant 0 : i32
      %sign3A_206 = arith.cmpi sgt, %scan3A_205, %sign3A : i32
      %sign3A_207 = arith.extui %sign3A_206 : i1 to i32
      %sign3A_208 = arith.constant 0 : i32
      %sign3A_209 = arith.cmpi slt, %scan3A_205, %sign3A_208 : i32
      %sign3A_210 = arith.extui %sign3A_209 : i1 to i32
      %sign3A_211 = arith.subi %sign3A_207, %sign3A_210 : i32
      %sign3A_212 = arith.constant 0 : i32
      %sign3A_213 = arith.cmpi sgt, %jit3A, %sign3A_212 : i32
      %sign3A_214 = arith.extui %sign3A_213 : i1 to i32
      %sign3A_215 = arith.constant 0 : i32
      %sign3A_216 = arith.cmpi slt, %jit3A, %sign3A_215 : i32
      %sign3A_217 = arith.extui %sign3A_216 : i1 to i32
      %sign3A_218 = arith.subi %sign3A_214, %sign3A_217 : i32
      %ne3A = arith.cmpi ne, %sign3A_211, %sign3A_218 : i32
      %rem3A = arith.remsi %scan3A_205, %jit3A : i32
      %ne3A_219 = arith.constant 0 : i32
      %ne3A_220 = arith.cmpi ne, %rem3A, %ne3A_219 : i32
      %and3A = arith.andi %ne3A, %ne3A_220 : i1
      %sub3A = arith.constant 1 : i32
      %sub3A_221 = arith.subi %div3A, %sub3A : i32
      %select_n3A = arith.select %and3A, %sub3A_221, %div3A : i32
      %add3A_222 = vector.broadcast %select_n3A : i32 to vector<16xi32>
      %add3A_223 = arith.addi %add3A_222, %broadcast_in_dim3A_3 : vector<16xi32>
      %jit3A_224 = arith.constant 8 : i32
      %eq3A = arith.constant 0 : i32
      %eq3A_225 = arith.cmpi eq, %jit3A_224, %eq3A : i32
      %jit3A_226 = arith.constant 1 : i32
      %select_n3A_227 = arith.select %eq3A_225, %jit3A_226, %jit3A_224 : i32
      %rem3A_228 = arith.remsi %scan3A_205, %select_n3A_227 : i32
      %ne3A_229 = arith.constant 0 : i32
      %ne3A_230 = arith.cmpi ne, %rem3A_228, %ne3A_229 : i32
      %lt3A = arith.constant 0 : i32
      %lt3A_231 = arith.cmpi slt, %rem3A_228, %lt3A : i32
      %lt3A_232 = arith.constant 0 : i32
      %lt3A_233 = arith.cmpi slt, %select_n3A_227, %lt3A_232 : i32
      %ne3A_234 = arith.xori %lt3A_231, %lt3A_233 : i1
      %and3A_235 = arith.andi %ne3A_234, %ne3A_230 : i1
      %add3A_236 = arith.addi %rem3A_228, %select_n3A_227 : i32
      %select_n3A_237 = arith.select %and3A_235, %add3A_236, %rem3A_228 : i32
      %mul3A_238 = arith.constant 16 : i32
      %mul3A_239 = arith.muli %select_n3A_237, %mul3A_238 : i32
      %add3A_240 = vector.broadcast %mul3A_239 : i32 to vector<16xi32>
      %add3A_241 = arith.addi %add3A_240, %iota3A : vector<16xi32>
      %gather3A = tpu.vector_load_idx %arg5[%add3A_223, %add3A_241, %broadcast_in_dim3A_3] : memref<8x128x16xf32, #tpu.memory_space<vmem>>[vector<16xi32>, vector<16xi32>, vector<16xi32>], vector<16xf32>,
      %broadcast_in_dim3A_242 = arith.constant 0 : i32
      %broadcast_in_dim3A_243 = vector.broadcast %broadcast_in_dim3A_242 : i32 to vector<16xi32>
      %gt3A = arith.constant -1.150300e+00 : f32
      %gt3A_244 = vector.broadcast %gt3A : f32 to vector<16xf32>
      %gt3A_245 = arith.cmpf ogt, %gather3A, %gt3A_244 : vector<16xf32>
      %convert_element_type3A = arith.extui %gt3A_245 : vector<16xi1> to vector<16xi32>
      %add3A_246 = arith.addi %broadcast_in_dim3A_243, %convert_element_type3A : vector<16xi32>
      %gt3A_247 = arith.constant -0.674499988 : f32
      %gt3A_248 = vector.broadcast %gt3A_247 : f32 to vector<16xf32>
      %gt3A_249 = arith.cmpf ogt, %gather3A, %gt3A_248 : vector<16xf32>
      %convert_element_type3A_250 = arith.extui %gt3A_249 : vector<16xi1> to vector<16xi32>
      %add3A_251 = arith.addi %add3A_246, %convert_element_type3A_250 : vector<16xi32>
      %gt3A_252 = arith.constant -3.186000e-01 : f32
      %gt3A_253 = vector.broadcast %gt3A_252 : f32 to vector<16xf32>
      %gt3A_254 = arith.cmpf ogt, %gather3A, %gt3A_253 : vector<16xf32>
      %convert_element_type3A_255 = arith.extui %gt3A_254 : vector<16xi1> to vector<16xi32>
      %add3A_256 = arith.addi %add3A_251, %convert_element_type3A_255 : vector<16xi32>
      %gt3A_257 = arith.constant 0.000000e+00 : f32
      %gt3A_258 = vector.broadcast %gt3A_257 : f32 to vector<16xf32>
      %gt3A_259 = arith.cmpf ogt, %gather3A, %gt3A_258 : vector<16xf32>
      %convert_element_type3A_260 = arith.extui %gt3A_259 : vector<16xi1> to vector<16xi32>
      %add3A_261 = arith.addi %add3A_256, %convert_element_type3A_260 : vector<16xi32>
      %gt3A_262 = arith.constant 3.186000e-01 : f32
      %gt3A_263 = vector.broadcast %gt3A_262 : f32 to vector<16xf32>
      %gt3A_264 = arith.cmpf ogt, %gather3A, %gt3A_263 : vector<16xf32>
      %convert_element_type3A_265 = arith.extui %gt3A_264 : vector<16xi1> to vector<16xi32>
      %add3A_266 = arith.addi %add3A_261, %convert_element_type3A_265 : vector<16xi32>
      %gt3A_267 = arith.constant 0.674499988 : f32
      %gt3A_268 = vector.broadcast %gt3A_267 : f32 to vector<16xf32>
      %gt3A_269 = arith.cmpf ogt, %gather3A, %gt3A_268 : vector<16xf32>
      %convert_element_type3A_270 = arith.extui %gt3A_269 : vector<16xi1> to vector<16xi32>
      %add3A_271 = arith.addi %add3A_266, %convert_element_type3A_270 : vector<16xi32>
      %gt3A_272 = arith.constant 1.150300e+00 : f32
      %gt3A_273 = vector.broadcast %gt3A_272 : f32 to vector<16xf32>
      %gt3A_274 = arith.cmpf ogt, %gather3A, %gt3A_273 : vector<16xf32>
      %convert_element_type3A_275 = arith.extui %gt3A_274 : vector<16xi1> to vector<16xi32>
      %add3A_276 = arith.addi %add3A_271, %convert_element_type3A_275 : vector<16xi32>
      %mul3A_277 = arith.constant 16 : i32
      %mul3A_278 = arith.muli %scan3A_205, %mul3A_277 : i32
      %swap3A = arith.index_cast %mul3A_278 : i32 to index
      %swap3A_279 = tpu.vector_load %arg6[%swap3A] {strides = array<i32>} : memref<1024xi32, #tpu.memory_space<vmem>>, vector<16xi32>,
      tpu.vector_store %arg6[%swap3A], %add3A_276 {strides = array<i32>} : memref<1024xi32, #tpu.memory_space<vmem>>, vector<16xi32>,
      %scan3A_280 = arith.constant 1 : i32
      %scan3A_281 = arith.addi %scan3A_205, %scan3A_280 : i32
      %jit3A_282 = arith.constant 8 : i32
      %div3A_283 = arith.divsi %scan3A_281, %jit3A_282 : i32
      %sign3A_284 = arith.constant 0 : i32
      %sign3A_285 = arith.cmpi sgt, %scan3A_281, %sign3A_284 : i32
      %sign3A_286 = arith.extui %sign3A_285 : i1 to i32
      %sign3A_287 = arith.constant 0 : i32
      %sign3A_288 = arith.cmpi slt, %scan3A_281, %sign3A_287 : i32
      %sign3A_289 = arith.extui %sign3A_288 : i1 to i32
      %sign3A_290 = arith.subi %sign3A_286, %sign3A_289 : i32
      %sign3A_291 = arith.constant 0 : i32
      %sign3A_292 = arith.cmpi sgt, %jit3A_282, %sign3A_291 : i32
      %sign3A_293 = arith.extui %sign3A_292 : i1 to i32
      %sign3A_294 = arith.constant 0 : i32
      %sign3A_295 = arith.cmpi slt, %jit3A_282, %sign3A_294 : i32
      %sign3A_296 = arith.extui %sign3A_295 : i1 to i32
      %sign3A_297 = arith.subi %sign3A_293, %sign3A_296 : i32
      %ne3A_298 = arith.cmpi ne, %sign3A_290, %sign3A_297 : i32
      %rem3A_299 = arith.remsi %scan3A_281, %jit3A_282 : i32
      %ne3A_300 = arith.constant 0 : i32
      %ne3A_301 = arith.cmpi ne, %rem3A_299, %ne3A_300 : i32
      %and3A_302 = arith.andi %ne3A_298, %ne3A_301 : i1
      %sub3A_303 = arith.constant 1 : i32
      %sub3A_304 = arith.subi %div3A_283, %sub3A_303 : i32
      %select_n3A_305 = arith.select %and3A_302, %sub3A_304, %div3A_283 : i32
      %add3A_306 = vector.broadcast %select_n3A_305 : i32 to vector<16xi32>
      %add3A_307 = arith.addi %add3A_306, %broadcast_in_dim3A_3 : vector<16xi32>
      %jit3A_308 = arith.constant 8 : i32
      %eq3A_309 = arith.constant 0 : i32
      %eq3A_310 = arith.cmpi eq, %jit3A_308, %eq3A_309 : i32
      %jit3A_311 = arith.constant 1 : i32
      %select_n3A_312 = arith.select %eq3A_310, %jit3A_311, %jit3A_308 : i32
      %rem3A_313 = arith.remsi %scan3A_281, %select_n3A_312 : i32
      %ne3A_314 = arith.constant 0 : i32
      %ne3A_315 = arith.cmpi ne, %rem3A_313, %ne3A_314 : i32
      %lt3A_316 = arith.constant 0 : i32
      %lt3A_317 = arith.cmpi slt, %rem3A_313, %lt3A_316 : i32
      %lt3A_318 = arith.constant 0 : i32
      %lt3A_319 = arith.cmpi slt, %select_n3A_312, %lt3A_318 : i32
      %ne3A_320 = arith.xori %lt3A_317, %lt3A_319 : i1
      %and3A_321 = arith.andi %ne3A_320, %ne3A_315 : i1
      %add3A_322 = arith.addi %rem3A_313, %select_n3A_312 : i32
      %select_n3A_323 = arith.select %and3A_321, %add3A_322, %rem3A_313 : i32
      %mul3A_324 = arith.constant 16 : i32
      %mul3A_325 = arith.muli %select_n3A_323, %mul3A_324 : i32
      %add3A_326 = vector.broadcast %mul3A_325 : i32 to vector<16xi32>
      %add3A_327 = arith.addi %add3A_326, %iota3A : vector<16xi32>
      %gather3A_328 = tpu.vector_load_idx %arg5[%add3A_307, %add3A_327, %broadcast_in_dim3A_3] : memref<8x128x16xf32, #tpu.memory_space<vmem>>[vector<16xi32>, vector<16xi32>, vector<16xi32>], vector<16xf32>,
      %broadcast_in_dim3A_329 = arith.constant 0 : i32
      %broadcast_in_dim3A_330 = vector.broadcast %broadcast_in_dim3A_329 : i32 to vector<16xi32>
      %gt3A_331 = arith.constant -1.150300e+00 : f32
      %gt3A_332 = vector.broadcast %gt3A_331 : f32 to vector<16xf32>
      %gt3A_333 = arith.cmpf ogt, %gather3A_328, %gt3A_332 : vector<16xf32>
      %convert_element_type3A_334 = arith.extui %gt3A_333 : vector<16xi1> to vector<16xi32>
      %add3A_335 = arith.addi %broadcast_in_dim3A_330, %convert_element_type3A_334 : vector<16xi32>
      %gt3A_336 = arith.constant -0.674499988 : f32
      %gt3A_337 = vector.broadcast %gt3A_336 : f32 to vector<16xf32>
      %gt3A_338 = arith.cmpf ogt, %gather3A_328, %gt3A_337 : vector<16xf32>
      %convert_element_type3A_339 = arith.extui %gt3A_338 : vector<16xi1> to vector<16xi32>
      %add3A_340 = arith.addi %add3A_335, %convert_element_type3A_339 : vector<16xi32>
      %gt3A_341 = arith.constant -3.186000e-01 : f32
      %gt3A_342 = vector.broadcast %gt3A_341 : f32 to vector<16xf32>
      %gt3A_343 = arith.cmpf ogt, %gather3A_328, %gt3A_342 : vector<16xf32>
      %convert_element_type3A_344 = arith.extui %gt3A_343 : vector<16xi1> to vector<16xi32>
      %add3A_345 = arith.addi %add3A_340, %convert_element_type3A_344 : vector<16xi32>
      %gt3A_346 = arith.constant 0.000000e+00 : f32
      %gt3A_347 = vector.broadcast %gt3A_346 : f32 to vector<16xf32>
      %gt3A_348 = arith.cmpf ogt, %gather3A_328, %gt3A_347 : vector<16xf32>
      %convert_element_type3A_349 = arith.extui %gt3A_348 : vector<16xi1> to vector<16xi32>
      %add3A_350 = arith.addi %add3A_345, %convert_element_type3A_349 : vector<16xi32>
      %gt3A_351 = arith.constant 3.186000e-01 : f32
      %gt3A_352 = vector.broadcast %gt3A_351 : f32 to vector<16xf32>
      %gt3A_353 = arith.cmpf ogt, %gather3A_328, %gt3A_352 : vector<16xf32>
      %convert_element_type3A_354 = arith.extui %gt3A_353 : vector<16xi1> to vector<16xi32>
      %add3A_355 = arith.addi %add3A_350, %convert_element_type3A_354 : vector<16xi32>
      %gt3A_356 = arith.constant 0.674499988 : f32
      %gt3A_357 = vector.broadcast %gt3A_356 : f32 to vector<16xf32>
      %gt3A_358 = arith.cmpf ogt, %gather3A_328, %gt3A_357 : vector<16xf32>
      %convert_element_type3A_359 = arith.extui %gt3A_358 : vector<16xi1> to vector<16xi32>
      %add3A_360 = arith.addi %add3A_355, %convert_element_type3A_359 : vector<16xi32>
      %gt3A_361 = arith.constant 1.150300e+00 : f32
      %gt3A_362 = vector.broadcast %gt3A_361 : f32 to vector<16xf32>
      %gt3A_363 = arith.cmpf ogt, %gather3A_328, %gt3A_362 : vector<16xf32>
      %convert_element_type3A_364 = arith.extui %gt3A_363 : vector<16xi1> to vector<16xi32>
      %add3A_365 = arith.addi %add3A_360, %convert_element_type3A_364 : vector<16xi32>
      %mul3A_366 = arith.constant 16 : i32
      %mul3A_367 = arith.muli %scan3A_281, %mul3A_366 : i32
      %swap3A_368 = arith.index_cast %mul3A_367 : i32 to index
      %swap3A_369 = tpu.vector_load %arg6[%swap3A_368] {strides = array<i32>} : memref<1024xi32, #tpu.memory_space<vmem>>, vector<16xi32>,
      tpu.vector_store %arg6[%swap3A_368], %add3A_365 {strides = array<i32>} : memref<1024xi32, #tpu.memory_space<vmem>>, vector<16xi32>,
      %scan3A_370 = arith.constant 2 : i32
      %scan3A_371 = arith.addi %scan3A_205, %scan3A_370 : i32
      %jit3A_372 = arith.constant 8 : i32
      %div3A_373 = arith.divsi %scan3A_371, %jit3A_372 : i32
      %sign3A_374 = arith.constant 0 : i32
      %sign3A_375 = arith.cmpi sgt, %scan3A_371, %sign3A_374 : i32
      %sign3A_376 = arith.extui %sign3A_375 : i1 to i32
      %sign3A_377 = arith.constant 0 : i32
      %sign3A_378 = arith.cmpi slt, %scan3A_371, %sign3A_377 : i32
      %sign3A_379 = arith.extui %sign3A_378 : i1 to i32
      %sign3A_380 = arith.subi %sign3A_376, %sign3A_379 : i32
      %sign3A_381 = arith.constant 0 : i32
      %sign3A_382 = arith.cmpi sgt, %jit3A_372, %sign3A_381 : i32
      %sign3A_383 = arith.extui %sign3A_382 : i1 to i32
      %sign3A_384 = arith.constant 0 : i32
      %sign3A_385 = arith.cmpi slt, %jit3A_372, %sign3A_384 : i32
      %sign3A_386 = arith.extui %sign3A_385 : i1 to i32
      %sign3A_387 = arith.subi %sign3A_383, %sign3A_386 : i32
      %ne3A_388 = arith.cmpi ne, %sign3A_380, %sign3A_387 : i32
      %rem3A_389 = arith.remsi %scan3A_371, %jit3A_372 : i32
      %ne3A_390 = arith.constant 0 : i32
      %ne3A_391 = arith.cmpi ne, %rem3A_389, %ne3A_390 : i32
      %and3A_392 = arith.andi %ne3A_388, %ne3A_391 : i1
      %sub3A_393 = arith.constant 1 : i32
      %sub3A_394 = arith.subi %div3A_373, %sub3A_393 : i32
      %select_n3A_395 = arith.select %and3A_392, %sub3A_394, %div3A_373 : i32
      %add3A_396 = vector.broadcast %select_n3A_395 : i32 to vector<16xi32>
      %add3A_397 = arith.addi %add3A_396, %broadcast_in_dim3A_3 : vector<16xi32>
      %jit3A_398 = arith.constant 8 : i32
      %eq3A_399 = arith.constant 0 : i32
      %eq3A_400 = arith.cmpi eq, %jit3A_398, %eq3A_399 : i32
      %jit3A_401 = arith.constant 1 : i32
      %select_n3A_402 = arith.select %eq3A_400, %jit3A_401, %jit3A_398 : i32
      %rem3A_403 = arith.remsi %scan3A_371, %select_n3A_402 : i32
      %ne3A_404 = arith.constant 0 : i32
      %ne3A_405 = arith.cmpi ne, %rem3A_403, %ne3A_404 : i32
      %lt3A_406 = arith.constant 0 : i32
      %lt3A_407 = arith.cmpi slt, %rem3A_403, %lt3A_406 : i32
      %lt3A_408 = arith.constant 0 : i32
      %lt3A_409 = arith.cmpi slt, %select_n3A_402, %lt3A_408 : i32
      %ne3A_410 = arith.xori %lt3A_407, %lt3A_409 : i1
      %and3A_411 = arith.andi %ne3A_410, %ne3A_405 : i1
      %add3A_412 = arith.addi %rem3A_403, %select_n3A_402 : i32
      %select_n3A_413 = arith.select %and3A_411, %add3A_412, %rem3A_403 : i32
      %mul3A_414 = arith.constant 16 : i32
      %mul3A_415 = arith.muli %select_n3A_413, %mul3A_414 : i32
      %add3A_416 = vector.broadcast %mul3A_415 : i32 to vector<16xi32>
      %add3A_417 = arith.addi %add3A_416, %iota3A : vector<16xi32>
      %gather3A_418 = tpu.vector_load_idx %arg5[%add3A_397, %add3A_417, %broadcast_in_dim3A_3] : memref<8x128x16xf32, #tpu.memory_space<vmem>>[vector<16xi32>, vector<16xi32>, vector<16xi32>], vector<16xf32>,
      %broadcast_in_dim3A_419 = arith.constant 0 : i32
      %broadcast_in_dim3A_420 = vector.broadcast %broadcast_in_dim3A_419 : i32 to vector<16xi32>
      %gt3A_421 = arith.constant -1.150300e+00 : f32
      %gt3A_422 = vector.broadcast %gt3A_421 : f32 to vector<16xf32>
      %gt3A_423 = arith.cmpf ogt, %gather3A_418, %gt3A_422 : vector<16xf32>
      %convert_element_type3A_424 = arith.extui %gt3A_423 : vector<16xi1> to vector<16xi32>
      %add3A_425 = arith.addi %broadcast_in_dim3A_420, %convert_element_type3A_424 : vector<16xi32>
      %gt3A_426 = arith.constant -0.674499988 : f32
      %gt3A_427 = vector.broadcast %gt3A_426 : f32 to vector<16xf32>
      %gt3A_428 = arith.cmpf ogt, %gather3A_418, %gt3A_427 : vector<16xf32>
      %convert_element_type3A_429 = arith.extui %gt3A_428 : vector<16xi1> to vector<16xi32>
      %add3A_430 = arith.addi %add3A_425, %convert_element_type3A_429 : vector<16xi32>
      %gt3A_431 = arith.constant -3.186000e-01 : f32
      %gt3A_432 = vector.broadcast %gt3A_431 : f32 to vector<16xf32>
      %gt3A_433 = arith.cmpf ogt, %gather3A_418, %gt3A_432 : vector<16xf32>
      %convert_element_type3A_434 = arith.extui %gt3A_433 : vector<16xi1> to vector<16xi32>
      %add3A_435 = arith.addi %add3A_430, %convert_element_type3A_434 : vector<16xi32>
      %gt3A_436 = arith.constant 0.000000e+00 : f32
      %gt3A_437 = vector.broadcast %gt3A_436 : f32 to vector<16xf32>
      %gt3A_438 = arith.cmpf ogt, %gather3A_418, %gt3A_437 : vector<16xf32>
      %convert_element_type3A_439 = arith.extui %gt3A_438 : vector<16xi1> to vector<16xi32>
      %add3A_440 = arith.addi %add3A_435, %convert_element_type3A_439 : vector<16xi32>
      %gt3A_441 = arith.constant 3.186000e-01 : f32
      %gt3A_442 = vector.broadcast %gt3A_441 : f32 to vector<16xf32>
      %gt3A_443 = arith.cmpf ogt, %gather3A_418, %gt3A_442 : vector<16xf32>
      %convert_element_type3A_444 = arith.extui %gt3A_443 : vector<16xi1> to vector<16xi32>
      %add3A_445 = arith.addi %add3A_440, %convert_element_type3A_444 : vector<16xi32>
      %gt3A_446 = arith.constant 0.674499988 : f32
      %gt3A_447 = vector.broadcast %gt3A_446 : f32 to vector<16xf32>
      %gt3A_448 = arith.cmpf ogt, %gather3A_418, %gt3A_447 : vector<16xf32>
      %convert_element_type3A_449 = arith.extui %gt3A_448 : vector<16xi1> to vector<16xi32>
      %add3A_450 = arith.addi %add3A_445, %convert_element_type3A_449 : vector<16xi32>
      %gt3A_451 = arith.constant 1.150300e+00 : f32
      %gt3A_452 = vector.broadcast %gt3A_451 : f32 to vector<16xf32>
      %gt3A_453 = arith.cmpf ogt, %gather3A_418, %gt3A_452 : vector<16xf32>
      %convert_element_type3A_454 = arith.extui %gt3A_453 : vector<16xi1> to vector<16xi32>
      %add3A_455 = arith.addi %add3A_450, %convert_element_type3A_454 : vector<16xi32>
      %mul3A_456 = arith.constant 16 : i32
      %mul3A_457 = arith.muli %scan3A_371, %mul3A_456 : i32
      %swap3A_458 = arith.index_cast %mul3A_457 : i32 to index
      %swap3A_459 = tpu.vector_load %arg6[%swap3A_458] {strides = array<i32>} : memref<1024xi32, #tpu.memory_space<vmem>>, vector<16xi32>,
      tpu.vector_store %arg6[%swap3A_458], %add3A_455 {strides = array<i32>} : memref<1024xi32, #tpu.memory_space<vmem>>, vector<16xi32>,
      %scan3A_460 = arith.constant 3 : i32
      %scan3A_461 = arith.addi %scan3A_205, %scan3A_460 : i32
      %jit3A_462 = arith.constant 8 : i32
      %div3A_463 = arith.divsi %scan3A_461, %jit3A_462 : i32
      %sign3A_464 = arith.constant 0 : i32
      %sign3A_465 = arith.cmpi sgt, %scan3A_461, %sign3A_464 : i32
      %sign3A_466 = arith.extui %sign3A_465 : i1 to i32
      %sign3A_467 = arith.constant 0 : i32
      %sign3A_468 = arith.cmpi slt, %scan3A_461, %sign3A_467 : i32
      %sign3A_469 = arith.extui %sign3A_468 : i1 to i32
      %sign3A_470 = arith.subi %sign3A_466, %sign3A_469 : i32
      %sign3A_471 = arith.constant 0 : i32
      %sign3A_472 = arith.cmpi sgt, %jit3A_462, %sign3A_471 : i32
      %sign3A_473 = arith.extui %sign3A_472 : i1 to i32
      %sign3A_474 = arith.constant 0 : i32
      %sign3A_475 = arith.cmpi slt, %jit3A_462, %sign3A_474 : i32
      %sign3A_476 = arith.extui %sign3A_475 : i1 to i32
      %sign3A_477 = arith.subi %sign3A_473, %sign3A_476 : i32
      %ne3A_478 = arith.cmpi ne, %sign3A_470, %sign3A_477 : i32
      %rem3A_479 = arith.remsi %scan3A_461, %jit3A_462 : i32
      %ne3A_480 = arith.constant 0 : i32
      %ne3A_481 = arith.cmpi ne, %rem3A_479, %ne3A_480 : i32
      %and3A_482 = arith.andi %ne3A_478, %ne3A_481 : i1
      %sub3A_483 = arith.constant 1 : i32
      %sub3A_484 = arith.subi %div3A_463, %sub3A_483 : i32
      %select_n3A_485 = arith.select %and3A_482, %sub3A_484, %div3A_463 : i32
      %add3A_486 = vector.broadcast %select_n3A_485 : i32 to vector<16xi32>
      %add3A_487 = arith.addi %add3A_486, %broadcast_in_dim3A_3 : vector<16xi32>
      %jit3A_488 = arith.constant 8 : i32
      %eq3A_489 = arith.constant 0 : i32
      %eq3A_490 = arith.cmpi eq, %jit3A_488, %eq3A_489 : i32
      %jit3A_491 = arith.constant 1 : i32
      %select_n3A_492 = arith.select %eq3A_490, %jit3A_491, %jit3A_488 : i32
      %rem3A_493 = arith.remsi %scan3A_461, %select_n3A_492 : i32
      %ne3A_494 = arith.constant 0 : i32
      %ne3A_495 = arith.cmpi ne, %rem3A_493, %ne3A_494 : i32
      %lt3A_496 = arith.constant 0 : i32
      %lt3A_497 = arith.cmpi slt, %rem3A_493, %lt3A_496 : i32
      %lt3A_498 = arith.constant 0 : i32
      %lt3A_499 = arith.cmpi slt, %select_n3A_492, %lt3A_498 : i32
      %ne3A_500 = arith.xori %lt3A_497, %lt3A_499 : i1
      %and3A_501 = arith.andi %ne3A_500, %ne3A_495 : i1
      %add3A_502 = arith.addi %rem3A_493, %select_n3A_492 : i32
      %select_n3A_503 = arith.select %and3A_501, %add3A_502, %rem3A_493 : i32
      %mul3A_504 = arith.constant 16 : i32
      %mul3A_505 = arith.muli %select_n3A_503, %mul3A_504 : i32
      %add3A_506 = vector.broadcast %mul3A_505 : i32 to vector<16xi32>
      %add3A_507 = arith.addi %add3A_506, %iota3A : vector<16xi32>
      %gather3A_508 = tpu.vector_load_idx %arg5[%add3A_487, %add3A_507, %broadcast_in_dim3A_3] : memref<8x128x16xf32, #tpu.memory_space<vmem>>[vector<16xi32>, vector<16xi32>, vector<16xi32>], vector<16xf32>,
      %broadcast_in_dim3A_509 = arith.constant 0 : i32
      %broadcast_in_dim3A_510 = vector.broadcast %broadcast_in_dim3A_509 : i32 to vector<16xi32>
      %gt3A_511 = arith.constant -1.150300e+00 : f32
      %gt3A_512 = vector.broadcast %gt3A_511 : f32 to vector<16xf32>
      %gt3A_513 = arith.cmpf ogt, %gather3A_508, %gt3A_512 : vector<16xf32>
      %convert_element_type3A_514 = arith.extui %gt3A_513 : vector<16xi1> to vector<16xi32>
      %add3A_515 = arith.addi %broadcast_in_dim3A_510, %convert_element_type3A_514 : vector<16xi32>
      %gt3A_516 = arith.constant -0.674499988 : f32
      %gt3A_517 = vector.broadcast %gt3A_516 : f32 to vector<16xf32>
      %gt3A_518 = arith.cmpf ogt, %gather3A_508, %gt3A_517 : vector<16xf32>
      %convert_element_type3A_519 = arith.extui %gt3A_518 : vector<16xi1> to vector<16xi32>
      %add3A_520 = arith.addi %add3A_515, %convert_element_type3A_519 : vector<16xi32>
      %gt3A_521 = arith.constant -3.186000e-01 : f32
      %gt3A_522 = vector.broadcast %gt3A_521 : f32 to vector<16xf32>
      %gt3A_523 = arith.cmpf ogt, %gather3A_508, %gt3A_522 : vector<16xf32>
      %convert_element_type3A_524 = arith.extui %gt3A_523 : vector<16xi1> to vector<16xi32>
      %add3A_525 = arith.addi %add3A_520, %convert_element_type3A_524 : vector<16xi32>
      %gt3A_526 = arith.constant 0.000000e+00 : f32
      %gt3A_527 = vector.broadcast %gt3A_526 : f32 to vector<16xf32>
      %gt3A_528 = arith.cmpf ogt, %gather3A_508, %gt3A_527 : vector<16xf32>
      %convert_element_type3A_529 = arith.extui %gt3A_528 : vector<16xi1> to vector<16xi32>
      %add3A_530 = arith.addi %add3A_525, %convert_element_type3A_529 : vector<16xi32>
      %gt3A_531 = arith.constant 3.186000e-01 : f32
      %gt3A_532 = vector.broadcast %gt3A_531 : f32 to vector<16xf32>
      %gt3A_533 = arith.cmpf ogt, %gather3A_508, %gt3A_532 : vector<16xf32>
      %convert_element_type3A_534 = arith.extui %gt3A_533 : vector<16xi1> to vector<16xi32>
      %add3A_535 = arith.addi %add3A_530, %convert_element_type3A_534 : vector<16xi32>
      %gt3A_536 = arith.constant 0.674499988 : f32
      %gt3A_537 = vector.broadcast %gt3A_536 : f32 to vector<16xf32>
      %gt3A_538 = arith.cmpf ogt, %gather3A_508, %gt3A_537 : vector<16xf32>
      %convert_element_type3A_539 = arith.extui %gt3A_538 : vector<16xi1> to vector<16xi32>
      %add3A_540 = arith.addi %add3A_535, %convert_element_type3A_539 : vector<16xi32>
      %gt3A_541 = arith.constant 1.150300e+00 : f32
      %gt3A_542 = vector.broadcast %gt3A_541 : f32 to vector<16xf32>
      %gt3A_543 = arith.cmpf ogt, %gather3A_508, %gt3A_542 : vector<16xf32>
      %convert_element_type3A_544 = arith.extui %gt3A_543 : vector<16xi1> to vector<16xi32>
      %add3A_545 = arith.addi %add3A_540, %convert_element_type3A_544 : vector<16xi32>
      %mul3A_546 = arith.constant 16 : i32
      %mul3A_547 = arith.muli %scan3A_461, %mul3A_546 : i32
      %swap3A_548 = arith.index_cast %mul3A_547 : i32 to index
      %swap3A_549 = tpu.vector_load %arg6[%swap3A_548] {strides = array<i32>} : memref<1024xi32, #tpu.memory_space<vmem>>, vector<16xi32>,
      tpu.vector_store %arg6[%swap3A_548], %add3A_545 {strides = array<i32>} : memref<1024xi32, #tpu.memory_space<vmem>>, vector<16xi32>,
    }
    %scan3A_204 = arith.constant 64 : i32
    "tpu.region"() ({
      %run_scoped3A = tpu.sem_alloc : memref<!tpu.dma_semaphore, #tpu.memory_space<semaphore_mem>>
      %dma_start3A_205 = tpu.memref_slice %arg3[%mul3A_2] : memref<32768xi32, #tpu.memory_space<hbm>> -> memref<1024xi32, #tpu.memory_space<hbm>>
      %dma_start3A_206 = tpu.memref_slice %arg3[%mul3A_2] : memref<32768xi32, #tpu.memory_space<hbm>> -> memref<1024xi32, #tpu.memory_space<hbm>>
      tpu.enqueue_dma source(%arg6 : memref<1024xi32, #tpu.memory_space<vmem>>) target(%dma_start3A_206 : memref<1024xi32, #tpu.memory_space<hbm>>) target_semaphore(%run_scoped3A : memref<!tpu.dma_semaphore, #tpu.memory_space<semaphore_mem>>)
      %dma_wait3A_207 = tpu.memref_slice %arg3[%mul3A_2] : memref<32768xi32, #tpu.memory_space<hbm>> -> memref<1024xi32, #tpu.memory_space<hbm>>
      %dma_wait3A_208 = tpu.memref_slice %arg3[%mul3A_2] : memref<32768xi32, #tpu.memory_space<hbm>> -> memref<1024xi32, #tpu.memory_space<hbm>>
      tpu.wait_dma2 semaphore(%run_scoped3A : memref<!tpu.dma_semaphore, #tpu.memory_space<semaphore_mem>>) src(%arg6 : memref<1024xi32, #tpu.memory_space<vmem>>) dst(%dma_wait3A_208 : memref<1024xi32, #tpu.memory_space<hbm>>)
      tpu.yield
    }) : () -> ()
    return
  }
}

</mosaic_0001>

<sc_bundles>
// kernel: kernel.3.cloned.1.call-start
scs
__scs_entry_jumppad:
0x0: {  	(pc) =	sbr.rel $0x88, $3  }
0x1: {  	(tag) =	ssettag $0x0;
	lr =	simm.s32 $0x1  }
0x2: {  	[smem:$0x3FA0] =	sst lr;
	_ =	strace $0xD0000000  }
0x3: {  	_ = 	snop  }
0x4: {  	_ = 	snop  }
0x5: {  	_ = 	snop  }
0x6: {  	_ = 	snop  }
0x7: {  	_ = 	snop  }
__scs_overlays_trampoline_lowered:
0x8: {  	[smem:$0x3FAF] =	sst s0  }
0x9: {  	[smem:$0x3FB0] =	sst s1  }
0xa: {  	[smem:$0x3FB1] =	sst s2  }
0xb: {  	[smem:$0x3FB2] =	sst s3  }
0xc: {  	[smem:$0x3FB3] =	sst s4  }
0xd: {  	[smem:$0x3FB4] =	sst s5  }
0xe: {  	[smem:$0x3FB5] =	sst s6  }
0xf: {  	[smem:$0x3FB6] =	sst s7  }
0x10: {  	[smem:$0x3FB7] =	sst s8  }
0x11: {  	[smem:$0x3FB8] =	sst s9;
	s0 =	simm.s32 @!p0 $0x0  }
0x12: {  	s1 =	sld [smem:$0x3F9E];
	s0 =	simm.s32 @p0 $0x1  }
0x13: {  	[smem:$0x3FB9] =	sst s0;
	s0 =	simm.s32 @!p1 $0x0  }
0x14: {  	s2 =	sld [smem:$0x3F9D];
	s0 =	simm.s32 @p1 $0x1  }
0x15: {  	[smem:$0x3FBA] =	sst s0;
	s0 =	simm.s32 @!p2 $0x0  }
0x16: {  	s3 =	sld [smem:$0x3FDB];
	s0 =	simm.s32 @p2 $0x1  }
0x17: {  	s4 =	simm.s32 $0x1BF5;
	[smem:$0x3FBC] =	sst s0  }
0x18: {  	s0 =	sld [smem:$0x3F9F];
	_ =	swait.ge [sflag:s4], $0x0  }
0x19: {  	s7 =	sld [smem:$0x3FA0]  }
0x1a: {  	s8 =	sadd.s32 $0xFFFFE003, lr  }
0x1b: {  	s9 =	sadd.s32 $0xFFFFFEF7, lr;
	s5 =	simm.s32 $0xFFFFFFFF;
	p2 =	slt.u32 s8, $0xFFFFF086  }
0x1c: {  	p1 =	slt.u32 s9, $0xF7A;
	s5 =	simm.s32 @!p2 $0x0  }
0x1d: {  	s5 =	simm.s32 @p1 $0x1;
	p0 =	seq.s32 s7, s2  }
0x1e: {  	s7 =	smul.u32 @!p0 $0xF7A, s2;
	p2 =	seq.s32 @!p0 s5, $0x0  }
0x1f: {  	s9 =	smul.u32 $0xF7A, s1;
	s8 =	simm.s32 @!p0 $0x1BF5;
	p2 =	por !p2, p0  }
0x20: {  	[sflag:s8] =	ssyncset.s32 @!p0 $0xFFFFF086;
	s6 =	sadd.s32 @!p0 s3, s7;
	s7 =	simm.s32 @!p0 $0x108  }
0x21: {  	s3 =	sadd.s32 s3, s9;
	s6 =	sadd.s32 @!p0 $0x88, s6;
	s7 =	simm.s32 @p2 $0x1082  }
0x22: {  	[simem:s7], [sflag:s8] =	dma.local @!p0 [hbm:s6], $0xF7A  }
0x23: {  	s9 =	sor.u32 $0xD0000000, s2;
	s6 =	simm.s32 $0x108;
	_ =	swait.ge @!p0 [sflag:s8], $0x0  }
0x24: {  	s3 =	sadd.s32 $0x88, s3;
	s6 =	simm.s32 @!p1 $0x1082;
	[sflag:s4] =	ssyncset.s32 $0xFFFFF086  }
0x25: {  	[simem:s6], [sflag:s4] =	dma.local [hbm:s3], $0xF7A  }
0x26: {  	[smem:$0x3FA0] =	sst s1;
	(tag) =	ssettag s2;
	_ =	strace s9  }
0x27: {  	s1 =	sld [smem:$0x3FB0]  }
0x28: {  	s2 =	sld [smem:$0x3FB1]  }
0x29: {  	s4 =	sld [smem:$0x3FB3]  }
0x2a: {  	p0 =	seq.s32 s5, $0x0;
	s5 =	sld [smem:$0x3FB4]  }
0x2b: {  	s6 =	sld [smem:$0x3FB5]  }
0x2c: {  	s7 =	sld [smem:$0x3FB6]  }
0x2d: {  	s3 =	simm.s32 $0x108;
	s8 =	sld [smem:$0x3FB7]  }
0x2e: {  	s3 =	simm.s32 @!p0 $0x1082;
	s9 =	sld [smem:$0x3FB8]  }
0x2f: {  	lr =	sadd.s32 s0, s3;
	s0 =	sld [smem:$0x3FAF]  }
0x30: {  	s3 =	sld [smem:$0x3FB2]  }
0x31: {  	[smem:$0x3FBB] =	sst s10  }
0x32: {  	s10 =	sld [smem:$0x3FB9];
	_ =	sdelay $0x3  }
0x33: {  	p0 =	seq.s32 s10, $0x1;
	s10 =	sld [smem:$0x3FBB];
	_ =	sdelay $0x3  }
0x34: {  	[smem:$0x3FBB] =	sst s10  }
0x35: {  	s10 =	sld [smem:$0x3FBA];
	_ =	sdelay $0x3  }
0x36: {  	p1 =	seq.s32 s10, $0x1;
	s10 =	sld [smem:$0x3FBB];
	_ =	sdelay $0x3  }
0x37: {  	[smem:$0x3FBB] =	sst s10  }
0x38: {  	s10 =	sld [smem:$0x3FBC]  }
0x39: {  	_ = 	snop;
	(pc) =	sbr.ind lr, $3  }
0x3a: {  	_ = 	snop  }
0x3b: {  	_ = 	snop  }
0x3c: {  	p2 =	seq.s32 s10, $0x1;
	s10 =	sld [smem:$0x3FBB]  }
0x3d: {  	_ =	shalt  }
0x3e: {  	_ =	shalt  }
0x3f: {  	_ =	shalt  }
0x40: {  	_ =	shalt  }
0x41: {  	_ =	shalt  }
0x42: {  	_ =	shalt  }
0x43: {  	_ =	shalt  }
0x44: {  	_ =	shalt  }
0x45: {  	_ =	shalt  }
0x46: {  	_ =	shalt  }
0x47: {  	_ =	shalt  }
0x48: {  	_ =	shalt  }
0x49: {  	_ =	shalt  }
0x4a: {  	_ =	shalt  }
0x4b: {  	_ =	shalt  }
0x4c: {  	_ =	shalt  }
0x4d: {  	_ =	shalt  }
0x4e: {  	_ =	shalt  }
0x4f: {  	_ =	shalt  }
0x50: {  	_ =	shalt  }
0x51: {  	_ =	shalt  }
0x52: {  	_ =	shalt  }
0x53: {  	_ =	shalt  }
0x54: {  	_ =	shalt  }
0x55: {  	_ =	shalt  }
0x56: {  	_ =	shalt  }
0x57: {  	_ =	shalt  }
0x58: {  	_ =	shalt  }
0x59: {  	_ =	shalt  }
0x5a: {  	_ =	shalt  }
0x5b: {  	_ =	shalt  }
0x5c: {  	_ =	shalt  }
0x5d: {  	_ =	shalt  }
0x5e: {  	_ =	shalt  }
0x5f: {  	_ =	shalt  }
0x60: {  	_ =	shalt  }
0x61: {  	_ =	shalt  }
0x62: {  	_ =	shalt  }
0x63: {  	_ =	shalt  }
0x64: {  	_ =	shalt  }
0x65: {  	_ =	shalt  }
0x66: {  	_ =	shalt  }
0x67: {  	_ =	shalt  }
0x68: {  	_ =	shalt  }
0x69: {  	_ =	shalt  }
0x6a: {  	_ =	shalt  }
0x6b: {  	_ =	shalt  }
0x6c: {  	_ =	shalt  }
0x6d: {  	_ =	shalt  }
0x6e: {  	_ =	shalt  }
0x6f: {  	_ =	shalt  }
0x70: {  	_ =	shalt  }
0x71: {  	_ =	shalt  }
0x72: {  	_ =	shalt  }
0x73: {  	_ =	shalt  }
0x74: {  	_ =	shalt  }
0x75: {  	_ =	shalt  }
0x76: {  	_ =	shalt  }
0x77: {  	_ =	shalt  }
0x78: {  	_ =	shalt  }
0x79: {  	_ =	shalt  }
0x7a: {  	_ =	shalt  }
0x7b: {  	_ =	shalt  }
0x7c: {  	_ =	shalt  }
0x7d: {  	_ =	shalt  }
0x7e: {  	_ =	shalt  }
0x7f: {  	_ =	shalt  }
0x80: {  	_ =	shalt  }
0x81: {  	_ =	shalt  }
0x82: {  	_ =	shalt  }
0x83: {  	_ =	shalt  }
0x84: {  	_ =	shalt  }
0x85: {  	_ =	shalt  }
0x86: {  	_ =	shalt  }
0x87: {  	_ =	shalt  }
.Lfunc_end0:
.L_simem_size_0:
called_computation_lowered:
.L_overlay_start_0:
0x88: {  	s2 =	sld [smem:$0x3FD9]  }
0x89: {  	s3 =	sld [smem:$0x3FFE];
	_ =	sdelay $0x1  }
0x8a: {  	s1 =	srdreg.scid  }
0x8b: {  	s0 =	sand.u32 $0x1, s1  }
0x8c: {  	s18 =	sshll.u32 s0, $0xA;
	s2 =	sadd.s32 s3, s2  }
0x8d: {  	s2 =	sadd.s32 s2, s18  }
0x8e: {  	[smem:$0x3FC7] =	sst s2  }
0x8f: {  	_ = 	snop  }
0x90: {  	s2 =	sld [smem:$0x3FC9]  }
0x91: {  	s19 =	sld [smem:$0x3FD0];
	(tm) =	ssettm $0x1  }
0x92: {  	s4 =	sld [smem:$0x3FFB];
	_ =	sdelay $0x3  }
0x93: {  	_ =	strace s4  }
0x94: {  	s4 =	sld [smem:$0x3FFC];
	_ =	sdelay $0x3  }
0x95: {  	_ =	strace s4  }
0x96: {  	s4 =	sld [smem:$0x3FFD];
	_ =	sdelay $0x3  }
0x97: {  	_ =	strace s4  }
0x98: {  	_ =	strace $0x8FFFFFFF  }
0x99: {  	s20 =	sld [smem:$0x3FDB];
	_ =	sdelay $0x1  }
0x9a: {  	s5 =	simm.s32 $_scs_section_size  }
0x9b: {  	s6 =	simm.s32 $_size__tile_overlayer_lowered;
	s7 =	simm.s32 $_tile_overlayer_lowered  }
0x9c: {  	s23 =	simm.s32 $0x1BFF;
	s22 =	sshll.u32 s7, $0x1;
	s4 =	sadd.s32 s5, s20  }
0x9d: {  	s8 =	simm.s32 $0x0;
	s21 =	sshll.u32 s6, $0x1;
	s6 =	sadd.s32 s22, s4  }
0x9e: {  	[timem:s8], [sflag:s23] =	dma.local [hbm:s6], s21  }
0x9f: {  	_ =	swait.ge [sflag:s23], s21  }
0xa0: {  	s5 =	ssub.s32 $0x0, s21;
	[sflag:s23] =	ssyncset.done $0x0  }
0xa1: {  	[sflag:s23] =	ssyncadd.s32 s5;
	_ =	sdelay $0x1  }
0xa2: {  	s24 =	simm.s32 $0x1B8B  }
0xa3: {  	_ =	swait.ge [sflag:s24], $0x1  }
0xa4: {  	[sflag:s24] =	ssyncset.done $0x0  }
0xa5: {  	s25 =	simm.s32 $0x1B8E;
	[sflag:s24] =	ssyncadd.s32 $0xFFFFFFFF  }
0xa6: {  	s26 =	simm.s32 $execute0_lowered;
	[smem:$0x3FD2] =	sst s25  }
0xa7: {  	s5 =	sshll.u32 s26, $0x1;
	_ =	strace $0x80000046;
	[dreg:$0x1] =	wrdreg $0xFFFFFFFF  }
0xa8: {  	s28 =	simm.s32 $_size_execute0_lowered;
	s4 =	sadd.s32 s4, s5;
	[dreg:$0x0] =	wrdreg $0x0  }
0xa9: {  	s5 =	sshll.u32 s28, $0x1;
	[dreg:$0x2] =	wrdreg s4  }
0xaa: {  	[dreg:$0x3] =	wrdreg s5  }
0xab: {  	[dreg:$0x4] =	wrdreg $0xC0  }
0xac: {  	_ =	task [dreg:s8], $0x5FFFF  }
0xad: {  	[dreg:$0x1] =	wrdreg $0xFFFFFFFF  }
0xae: {  	[dreg:$0x0] =	wrdreg $0x60  }
0xaf: {  	[dreg:$0x2] =	wrdreg s2  }
0xb0: {  	[dreg:$0x3] =	wrdreg s19  }
0xb1: {  	[dreg:$0x4] =	wrdreg $0x9  }
0xb2: {  	_ =	task.clear_ibuf [dreg:s8], $0x5FFFF;
	_ =	strace $0x90000046  }
0xb3: {  	s29 =	simm.s32 $0x9;
	_ =	strace $0x80000048  }
0xb4: {  	_ =	swait.ge [sflag:s29], $0x1  }
0xb5: {  	[sflag:s29] =	ssyncadd.s32 $0xFFFFFFFF  }
0xb6: {  	_ =	strace $0x90000048  }
0xb7: {  	_ =	sfence  }
0xb8: {  	s30 =	sld [smem:$0x0];
	_ =	sdelay $0x2  }
0xb9: {  	s31 =	sshll.u32 s1, $0xD;
	s1 =	sshrl.u32 s1, $0x2  }
0xba: {  	s3 =	sand.u32 $0x4000, s31;
	s1 =	sadd.s32 s1, s30  }
0xbb: {  	s0 =	sor.u32 s3, s0;
	s1 =	sshll.u32 s1, $0x11  }
0xbc: {  	s0 =	sor.u32 s1, s0  }
0xbd: {  	s0 =	sadd.s32 $0x8F2B, s0  }
0xbe: {  	[sflag:s0] =	ssyncadd.remote.s32 $0x1  }
0xbf: {  	_ =	sfence.sel $0xFFFF  }
0xc0: {  	[dreg:$0x0] =	wrdreg $0xFFFFFFFF;
	(pc) =	sbr.abs _section_cstart, $3  }
0xc1: {  	[dreg:$0x1] =	wrdreg $0xFFFFFFFF  }
0xc2: {  	_ =	task.clear_ibuf [dreg:s8], $0x2FFFF;
	_ =	strace $0x9FFFFFFF  }
0xc3: {  	(tm) =	ssettm $0x7FFFFFFF  }
tec
execute0_lowered:
.L_overlay_start_1:
0x0: {  	(tag) =	ssettag $0x1  }
0x1: {  	s1 =	rddreg [dreg:$0x0]  }
0x2: {  	s0 =	rddreg [dreg:$0x1];
	s4 =	srdreg.scid;
	s3 =	simm.s32 $0x0  }
0x3: {  	s2 =	stileid.u32;
	s8 =	simm.s32 $0x400;
	s11 =	simm.s32 $0x1400  }
0x4: {  	s12 =	simm.s32 $0x180;
	s13 =	simm.s32 $0x1C00;
	s14 =	simm.s32 $0x200  }
0x5: {  	s15 =	simm.s32 $0x2400;
	s16 =	simm.s32 $0x280;
	s17 =	simm.s32 $0x2C00  }
0x6: {  	s18 =	simm.s32 $0x300;
	s19 =	simm.s32 $0x3400;
	s20 =	simm.s32 $0x380  }
0x7: {  	s21 =	simm.s32 $0x3C00;
	s22 =	simm.s32 $0x1;
	s23 =	simm.s32 $0x4400  }
0x8: {  	s24 =	simm.s32 $0x2;
	s25 =	simm.s32 $0x0;
	s4 =	sand.u32 $0x1, s4  }
0x9: {  	v2 =	vlaneseq.u32;
	s6 =	sshll.u32 s2, $0xB;
	s5 =	ssub.s32 $0x2, s4;
	s4 =	sshll.u32 s4, $0xA  }
0xa: {  	[smem:$0x7FF] =	sst s3;
	v1 =	vand.u32 $0x7, v2;
	s7 =	sshrl.u32 s5, $0x1;
	s4 =	sor.u32 s4, s6  }
0xb: {  	_ =	strace $0x80000047;
	v1 =	vmul.u32 $0x8, v1;
	s30 =	ssub.s32 s5, s7;
	s31 =	sshrl.u32 s4, $0x3  }
0xc: {  	v3 =	vimm.s32 $0x0;
	v0 =	vmul.u32 $0x40, v2;
	v2 =	vmul.u32 $0x10, v2;
	s7 =	simm.s32 $0x80;
	s5 =	sadd.s32 s0, s31;
	s6 =	smax.u32 s30, $0x1  }
.LBB2_1:
0xd: {  	s0 =	sadd.s32 $0x0, s4  }
0xe: {  	v4 =	vmov s0  }
0xf: {  	s26 =	sadd.s32 $0x10, s0;
	s2 =	sadd.s32 $0x20, s0;
	s0 =	sadd.s32 $0x30, s0;
	v4 =	vshll.u32 v4, $0x6  }
0x10: {  	s28 =	simm.s32 $0x4;
	s29 =	simm.s32 $0x0;
	v5 =	vmov s26;
	v6 =	vmov s2;
	v7 =	vmov s0  }
0x11: {  	s30 =	sand.u32 $0x40, s3;
	s31 =	simm.s32 $0x10;
	s29 =	sand.u32 $0x380, s29;
	v4 =	vor.u32 v0, v4;
	v5 =	vshll.u32 v5, $0x6;
	v7 =	vshll.u32 v7, $0x6  }
0x12: {  	s9 =	sand.u32 $0x50, s31;
	s31 =	simm.s32 $0x30;
	s10 =	sor.u32 s30, s29;
	v6 =	vshll.u32 v6, $0x6;
	v4 =	vand.u32 $0x7FFFFE00, v4;
	v5 =	vor.u32 v0, v5  }
0x13: {  	s30 =	simm.s32 $0x20;
	s0 =	sor.u32 s9, s29;
	s31 =	sand.u32 $0x70, s31;
	v7 =	vor.u32 v0, v7;
	v4 =	vor.u32 v1, v4;
	v5 =	vand.u32 $0x7FFFFE00, v5  }
0x14: {  	s26 =	simm.s32 $0x40;
	s30 =	sand.u32 $0x60, s30;
	s31 =	sor.u32 s31, s29;
	[tilespmem:s10+$0x0] =	vst v4;
	v4 =	vor.u32 v1, v5;
	v5 =	vor.u32 v0, v6;
	v6 =	vand.u32 $0x7FFFFE00, v7  }
0x15: {  	s30 =	sor.u32 s30, s29;
	s29 =	simm.s32 $0x0;
	[tilespmem:s0+$0x0] =	vst v4;
	s0 =	sadd.s32 $0x40, s4;
	v5 =	vand.u32 $0x7FFFFE00, v5;
	v4 =	vor.u32 v1, v6  }
.LBB2_2:
0x16: {  	s28 =	sadd.s32 $0x4, s28;
	v6 =	vmov s0;
	s2 =	sadd.s32 $0x10, s0;
	v5 =	vor.u32 v1, v5;
	s29 =	sadd.s32 $0x100, s29  }
0x17: {  	s9 =	sand.u32 $0x40, s26;
	p0 =	slt.u32 s28, $0x3C;
	v6 =	vshll.u32 v6, $0x6;
	v7 =	vmov s2;
	s2 =	sadd.s32 $0x20, s0;
	[tilespmem:s30+$0x0] =	vst v5  }
0x18: {  	s10 =	sadd.s32 $0x10, s26;
	s30 =	sshrl.u32 s29, $0x2;
	s0 =	sadd.s32 $0x30, s0;
	v5 =	vor.u32 v0, v6;
	v6 =	vshll.u32 v7, $0x6;
	v7 =	vmov s2;
	[tilespmem:s31+$0x0] =	vst v4  }
.Ltmp0:
0x19: {  	s10 =	sand.u32 $0x50, s10;
	s2 =	sand.u32 $0x380, s30;
	v4 =	vand.u32 $0x7FFFFE00, v5;
	v5 =	vor.u32 v0, v6;
	v6 =	vmov s0;
	(pc) =	sbr.rel @p0 .LBB2_2-.Ltmp0, $4  }
0x1a: {  	s0 =	sor.u32 s9, s2;
	s9 =	sor.u32 s10, s2;
	s10 =	sadd.s32 $0x20, s26;
	v4 =	vor.u32 v1, v4;
	v5 =	vand.u32 $0x7FFFFE00, v5;
	v6 =	vshll.u32 v6, $0x6  }
0x1b: {  	[tilespmem:s0+$0x0] =	vst v4;
	v4 =	vor.u32 v1, v5;
	v5 =	vshll.u32 v7, $0x6;
	s0 =	sand.u32 $0x60, s10;
	s10 =	sadd.s32 $0x30, s26;
	v6 =	vor.u32 v0, v6  }
0x1c: {  	s26 =	sadd.s32 $0x40, s26;
	[tilespmem:s9+$0x0] =	vst v4;
	v4 =	vor.u32 v0, v5;
	s30 =	sor.u32 s0, s2;
	v6 =	vand.u32 $0x7FFFFE00, v6;
	s9 =	sand.u32 $0x70, s10  }
0x1d: {  	s0 =	sadd.s32 s26, s4;
	v5 =	vand.u32 $0x7FFFFE00, v4;
	v4 =	vor.u32 v1, v6;
	s31 =	sor.u32 s9, s2  }
0x1e: {  	v6 =	vmov s0  }
0x1f: {  	s2 =	sadd.s32 $0x10, s0;
	v5 =	vor.u32 v1, v5;
	s9 =	sadd.s32 $0x20, s0;
	s0 =	sadd.s32 $0x30, s0;
	v6 =	vshll.u32 v6, $0x6  }
0x20: {  	s10 =	sadd.s32 $0x100, s29;
	v7 =	vmov s2;
	v8 =	vmov s9;
	[tilespmem:s30+$0x0] =	vst v5;
	v5 =	vmov s0  }
0x21: {  	s2 =	sshrl.u32 s10, $0x2;
	v6 =	vor.u32 v0, v6;
	v7 =	vshll.u32 v7, $0x6;
	v8 =	vshll.u32 v8, $0x6  }
0x22: {  	s9 =	sand.u32 $0x40, s26;
	s10 =	sadd.s32 $0x10, s26;
	s2 =	sand.u32 $0x380, s2;
	v5 =	vshll.u32 v5, $0x6;
	v6 =	vand.u32 $0x7FFFFE00, v6;
	v7 =	vor.u32 v0, v7  }
0x23: {  	[tilespmem:s31+$0x0] =	vst v4;
	s30 =	sand.u32 $0x50, s10;
	s31 =	sadd.s32 $0x20, s26;
	s9 =	sor.u32 s9, s2;
	v6 =	vor.u32 v1, v6;
	v4 =	vand.u32 $0x7FFFFE00, v7;
	v7 =	vor.u32 v0, v8  }
0x24: {  	s0 =	sor.u32 s30, s2;
	s10 =	sand.u32 $0x60, s31;
	s30 =	sadd.s32 $0x30, s26;
	v5 =	vor.u32 v0, v5;
	[tilespmem:s9+$0x0] =	vst v6;
	v4 =	vor.u32 v1, v4;
	v6 =	vand.u32 $0x7FFFFE00, v7  }
0x25: {  	s31 =	sor.u32 s10, s2;
	s26 =	sand.u32 $0x70, s30;
	[tilespmem:s0+$0x0] =	vst v4;
	v4 =	vand.u32 $0x7FFFFE00, v5;
	v5 =	vor.u32 v1, v6  }
0x26: {  	s2 =	sor.u32 s26, s2;
	v4 =	vor.u32 v1, v4;
	[tilespmem:s31+$0x0] =	vst v5  }
0x27: {  	s30 =	simm.s32 $0x0;
	[tilespmem:s2+$0x0] =	vst v4  }
0x28: {  	[tilespmem:s8], [sflag:$0x1] =	stream.indirect.gather [hbm4b:s1+s7], $0x10, s30, s7, $0xb8;
	[tilespmem:$0x4800] =	vst v63  }
0x29: {  	s31 =	simm.s32 $0xC00  }
0x2a: {  	[tilespmem:s31], [sflag:$0x1] =	stream.indirect.gather [hbm4b:s1+s7], $0x10, s7, s7, $0xb8;
	[tilespmem:$0x4800] =	vst v63  }
0x2b: {  	s9 =	simm.s32 $0x100  }
0x2c: {  	[tilespmem:s11], [sflag:$0x1] =	stream.indirect.gather [hbm4b:s1+s7], $0x10, s9, s7, $0xb8;
	[tilespmem:$0x4800] =	vst v63  }
0x2d: {  	_ = 	snop  }
0x2e: {  	[tilespmem:s13], [sflag:$0x1] =	stream.indirect.gather [hbm4b:s1+s7], $0x10, s12, s7, $0xb8;
	[tilespmem:$0x4800] =	vst v63  }
0x2f: {  	_ = 	snop  }
0x30: {  	[tilespmem:s15], [sflag:$0x1] =	stream.indirect.gather [hbm4b:s1+s7], $0x10, s14, s7, $0xb8;
	[tilespmem:$0x4800] =	vst v63  }
0x31: {  	_ = 	snop  }
0x32: {  	[tilespmem:s17], [sflag:$0x1] =	stream.indirect.gather [hbm4b:s1+s7], $0x10, s16, s7, $0xb8;
	[tilespmem:$0x4800] =	vst v63  }
0x33: {  	_ = 	snop  }
0x34: {  	[tilespmem:s19], [sflag:$0x1] =	stream.indirect.gather [hbm4b:s1+s7], $0x10, s18, s7, $0xb8;
	[tilespmem:$0x4800] =	vst v63  }
0x35: {  	_ = 	snop  }
0x36: {  	[tilespmem:s21], [sflag:$0x1] =	stream.indirect.gather [hbm4b:s1+s7], $0x10, s20, s7, $0xb8;
	[tilespmem:$0x4800] =	vst v63  }
0x37: {  	_ =	swait.ge [sflag:s22], $0x800  }
0x38: {  	[sflag:s22] =	ssyncset.done $0x0  }
0x39: {  	[sflag:s22] =	ssyncadd.s32 $0xFFFFF800  }
0x3a: {  	_ =	swait.ge [sflag:s22], $0x800  }
0x3b: {  	[sflag:s22] =	ssyncset.done $0x0  }
0x3c: {  	[sflag:s22] =	ssyncadd.s32 $0xFFFFF800  }
0x3d: {  	_ =	swait.ge [sflag:s22], $0x800  }
0x3e: {  	[sflag:s22] =	ssyncset.done $0x0  }
0x3f: {  	[sflag:s22] =	ssyncadd.s32 $0xFFFFF800  }
0x40: {  	_ =	swait.ge [sflag:s22], $0x800  }
0x41: {  	[sflag:s22] =	ssyncset.done $0x0  }
0x42: {  	[sflag:s22] =	ssyncadd.s32 $0xFFFFF800  }
0x43: {  	_ =	swait.ge [sflag:s22], $0x800  }
0x44: {  	[sflag:s22] =	ssyncset.done $0x0  }
0x45: {  	[sflag:s22] =	ssyncadd.s32 $0xFFFFF800  }
0x46: {  	s0 =	sand.u32 $0x40, s30;
	_ =	swait.ge [sflag:s22], $0x800  }
0x47: {  	v4 =	vmov s0;
	[sflag:s22] =	ssyncset.done $0x0  }
0x48: {  	s10 =	simm.s32 $0x0;
	v4 =	vshll.u32 v4, $0x4;
	[sflag:s22] =	ssyncadd.s32 $0xFFFFF800  }
0x49: {  	s28 =	sand.u32 $0xFFFFF800, s10;
	v4 =	vor.u32 v2, v4;
	_ =	swait.ge [sflag:s22], $0x800  }
0x4a: {  	v4 =	vor.u32 s28, v4;
	[sflag:s22] =	ssyncset.done $0x0  }
0x4b: {  	[sflag:s22] =	ssyncadd.s32 $0xFFFFF800  }
0x4c: {  	_ =	swait.ge [sflag:s22], $0x800  }
0x4d: {  	[sflag:s22] =	ssyncset.done $0x0  }
0x4e: {  	[sflag:s22] =	ssyncadd.s32 $0xFFFFF800  }
0x4f: {  	s26 =	simm.s32 $0x10;
	v4 =	vld.idx.msk [tilespmem:v4+s8+$0x0], $0xffff  }
0x50: {  	s0 =	sand.u32 $0x50, s26  }
0x51: {  	v5 =	vmov s0  }
0x52: {  	v5 =	vshll.u32 v5, $0x4  }
0x53: {  	v5 =	vor.u32 v2, v5  }
0x54: {  	v5 =	vor.u32 s28, v5;
	vm0 =	vgt.f32 v4, $-1.150300030e+00;
	vm1 =	vgt.f32 v4, $-6.744999880e-01  }
0x55: {  	vm9 =	vgt.f32 v4, $-3.185999990e-01;
	v6 =	vsel vm0, $0x1, v3;
	v7 =	vsel vm1, $0x1, v3  }
0x56: {  	vm10 =	vgt.f32 v4, $0.0e+00;
	v6 =	vadd.s32 v7, v6;
	v7 =	vsel vm9, $0x1, v3  }
0x57: {  	vm11 =	vgt.f32 v4, $3.185999990e-01;
	v6 =	vadd.s32 v7, v6;
	v7 =	vsel vm10, $0x1, v3  }
0x58: {  	vm12 =	vgt.f32 v4, $6.744999880e-01;
	v6 =	vadd.s32 v7, v6;
	v7 =	vsel vm11, $0x1, v3  }
0x59: {  	vm13 =	vgt.f32 v4, $1.150300030e+00;
	v6 =	vadd.s32 v7, v6;
	v7 =	vsel vm12, $0x1, v3  }
0x5a: {  	v4 =	vadd.s32 v7, v6;
	v6 =	vsel vm13, $0x1, v3  }
0x5b: {  	s26 =	simm.s32 $0x4420;
	v4 =	vadd.s32 v6, v4  }
0x5c: {  	[tilespmem:s26+$0xFFFFFFE0] =	vst v4  }
0x5d: {  	s30 =	simm.s32 $0x20;
	v4 =	vld.idx.msk [tilespmem:v5+s8+$0x0], $0xffff  }
0x5e: {  	s0 =	sand.u32 $0x60, s30  }
0x5f: {  	v5 =	vmov s0  }
0x60: {  	v5 =	vshll.u32 v5, $0x4  }
0x61: {  	v5 =	vor.u32 v2, v5  }
0x62: {  	v5 =	vor.u32 s28, v5;
	vm14 =	vgt.f32 v4, $-1.150300030e+00;
	vm15 =	vgt.f32 v4, $-6.744999880e-01  }
0x63: {  	vm4 =	vgt.f32 v4, $-3.185999990e-01;
	v6 =	vsel vm14, $0x1, v3;
	v7 =	vsel vm15, $0x1, v3  }
0x64: {  	vm5 =	vgt.f32 v4, $0.0e+00;
	v6 =	vadd.s32 v7, v6;
	v7 =	vsel vm4, $0x1, v3  }
0x65: {  	vm6 =	vgt.f32 v4, $3.185999990e-01;
	v6 =	vadd.s32 v7, v6;
	v7 =	vsel vm5, $0x1, v3  }
0x66: {  	vm7 =	vgt.f32 v4, $6.744999880e-01;
	v6 =	vadd.s32 v7, v6;
	v7 =	vsel vm6, $0x1, v3  }
0x67: {  	vm8 =	vgt.f32 v4, $1.150300030e+00;
	v6 =	vadd.s32 v7, v6;
	v7 =	vsel vm7, $0x1, v3  }
0x68: {  	v4 =	vadd.s32 v7, v6;
	v6 =	vsel vm8, $0x1, v3  }
0x69: {  	v4 =	vadd.s32 v6, v4  }
0x6a: {  	[tilespmem:s26+$0xFFFFFFF0] =	vst v4  }
0x6b: {  	s31 =	simm.s32 $0x30;
	v4 =	vld.idx.msk [tilespmem:v5+s8+$0x0], $0xffff  }
0x6c: {  	s0 =	sand.u32 $0x70, s31  }
0x6d: {  	v5 =	vmov s0  }
0x6e: {  	v5 =	vshll.u32 v5, $0x4  }
0x6f: {  	v5 =	vor.u32 v2, v5  }
0x70: {  	v5 =	vor.u32 s28, v5;
	vm9 =	vgt.f32 v4, $-1.150300030e+00;
	vm10 =	vgt.f32 v4, $-6.744999880e-01  }
0x71: {  	vm11 =	vgt.f32 v4, $-3.185999990e-01;
	v6 =	vsel vm9, $0x1, v3;
	v7 =	vsel vm10, $0x1, v3  }
0x72: {  	vm12 =	vgt.f32 v4, $0.0e+00;
	v6 =	vadd.s32 v7, v6;
	v7 =	vsel vm11, $0x1, v3  }
0x73: {  	vm13 =	vgt.f32 v4, $3.185999990e-01;
	v6 =	vadd.s32 v7, v6;
	v7 =	vsel vm12, $0x1, v3  }
0x74: {  	vm14 =	vgt.f32 v4, $6.744999880e-01;
	v6 =	vadd.s32 v7, v6;
	v7 =	vsel vm13, $0x1, v3  }
0x75: {  	vm15 =	vgt.f32 v4, $1.150300030e+00;
	v6 =	vadd.s32 v7, v6;
	v7 =	vsel vm14, $0x1, v3  }
0x76: {  	v4 =	vadd.s32 v7, v6;
	v6 =	vsel vm15, $0x1, v3  }
0x77: {  	v4 =	vadd.s32 v6, v4  }
0x78: {  	[tilespmem:s26+$0x0] =	vst v4  }
0x79: {  	s29 =	simm.s32 $0x40;
	s28 =	simm.s32 $0x0;
	v4 =	vld.idx.msk [tilespmem:v5+s8+$0x0], $0xffff  }
.LBB2_4:
0x7a: {  	s0 =	sand.u32 $0x40, s29  }
0x7b: {  	s28 =	sadd.s32 $0x4, s28;
	v5 =	vmov s0  }
0x7c: {  	s0 =	sshll.u32 s28, $0x8;
	v5 =	vshll.u32 v5, $0x4  }
0x7d: {  	s30 =	sand.u32 $0xFFFFF800, s0;
	v5 =	vor.u32 v2, v5  }
0x7e: {  	v5 =	vor.u32 s30, v5  }
0x7f: {  	vm0 =	vgt.f32 v4, $-1.150300030e+00;
	vm1 =	vgt.f32 v4, $-6.744999880e-01;
	vm2 =	vgt.f32 v4, $-3.185999990e-01  }
0x80: {  	p0 =	slt.u32 s28, $0x3C;
	v6 =	vsel vm0, $0x1, v3;
	v7 =	vsel vm1, $0x1, v3;
	vm0 =	vgt.f32 v4, $0.0e+00  }
0x81: {  	vm1 =	vgt.f32 v4, $3.185999990e-01;
	v6 =	vadd.s32 v7, v6;
	v7 =	vsel vm2, $0x1, v3  }
0x82: {  	v6 =	vadd.s32 v7, v6;
	v7 =	vsel vm0, $0x1, v3;
	vm0 =	vgt.f32 v4, $6.744999880e-01  }
0x83: {  	v6 =	vadd.s32 v7, v6;
	v7 =	vsel vm1, $0x1, v3;
	vm1 =	vgt.f32 v4, $1.150300030e+00  }
0x84: {  	v4 =	vadd.s32 v7, v6;
	v6 =	vsel vm0, $0x1, v3  }
0x85: {  	v4 =	vadd.s32 v6, v4;
	v6 =	vsel vm1, $0x1, v3  }
0x86: {  	v4 =	vadd.s32 v6, v4  }
0x87: {  	[tilespmem:s26+$0x10] =	vst v4  }
0x88: {  	v4 =	vld.idx.msk [tilespmem:v5+s8+$0x0], $0xffff  }
0x89: {  	s0 =	sadd.s32 $0x10, s29  }
0x8a: {  	s0 =	sand.u32 $0x50, s0  }
0x8b: {  	v5 =	vmov s0  }
0x8c: {  	v5 =	vshll.u32 v5, $0x4  }
0x8d: {  	v5 =	vor.u32 v2, v5  }
0x8e: {  	v5 =	vor.u32 s30, v5;
	vm0 =	vgt.f32 v4, $-1.150300030e+00;
	vm1 =	vgt.f32 v4, $-6.744999880e-01  }
0x8f: {  	v6 =	vsel vm0, $0x1, v3;
	v7 =	vsel vm1, $0x1, v3;
	vm0 =	vgt.f32 v4, $-3.185999990e-01  }
0x90: {  	v6 =	vadd.s32 v7, v6;
	v7 =	vsel vm0, $0x1, v3;
	vm0 =	vgt.f32 v4, $0.0e+00  }
0x91: {  	v6 =	vadd.s32 v7, v6;
	v7 =	vsel vm0, $0x1, v3;
	vm0 =	vgt.f32 v4, $3.185999990e-01  }
0x92: {  	v6 =	vadd.s32 v7, v6;
	v7 =	vsel vm0, $0x1, v3;
	vm0 =	vgt.f32 v4, $6.744999880e-01  }
0x93: {  	v6 =	vadd.s32 v7, v6;
	v7 =	vsel vm0, $0x1, v3;
	vm0 =	vgt.f32 v4, $1.150300030e+00  }
0x94: {  	v4 =	vadd.s32 v7, v6;
	v6 =	vsel vm0, $0x1, v3  }
0x95: {  	s26 =	sadd.s32 $0x40, s26;
	v4 =	vadd.s32 v6, v4  }
0x96: {  	[tilespmem:s26+$0xFFFFFFE0] =	vst v4  }
0x97: {  	v4 =	vld.idx.msk [tilespmem:v5+s8+$0x0], $0xffff  }
0x98: {  	s0 =	sadd.s32 $0x20, s29  }
0x99: {  	s0 =	sand.u32 $0x60, s0  }
0x9a: {  	v5 =	vmov s0  }
0x9b: {  	v5 =	vshll.u32 v5, $0x4  }
0x9c: {  	v5 =	vor.u32 v2, v5  }
0x9d: {  	v5 =	vor.u32 s30, v5;
	vm0 =	vgt.f32 v4, $-1.150300030e+00;
	vm1 =	vgt.f32 v4, $-6.744999880e-01  }
0x9e: {  	v6 =	vsel vm0, $0x1, v3;
	v7 =	vsel vm1, $0x1, v3;
	vm0 =	vgt.f32 v4, $-3.185999990e-01  }
0x9f: {  	v6 =	vadd.s32 v7, v6;
	v7 =	vsel vm0, $0x1, v3;
	vm0 =	vgt.f32 v4, $0.0e+00  }
0xa0: {  	v6 =	vadd.s32 v7, v6;
	v7 =	vsel vm0, $0x1, v3;
	vm0 =	vgt.f32 v4, $3.185999990e-01  }
0xa1: {  	v6 =	vadd.s32 v7, v6;
	v7 =	vsel vm0, $0x1, v3;
	vm0 =	vgt.f32 v4, $6.744999880e-01  }
0xa2: {  	v6 =	vadd.s32 v7, v6;
	v7 =	vsel vm0, $0x1, v3;
	vm0 =	vgt.f32 v4, $1.150300030e+00  }
0xa3: {  	v4 =	vadd.s32 v7, v6;
	v6 =	vsel vm0, $0x1, v3  }
0xa4: {  	v4 =	vadd.s32 v6, v4  }
0xa5: {  	[tilespmem:s26+$0xFFFFFFF0] =	vst v4  }
0xa6: {  	v4 =	vld.idx.msk [tilespmem:v5+s8+$0x0], $0xffff  }
0xa7: {  	s0 =	sadd.s32 $0x30, s29  }
0xa8: {  	s0 =	sand.u32 $0x70, s0  }
0xa9: {  	v5 =	vmov s0  }
0xaa: {  	v5 =	vshll.u32 v5, $0x4  }
0xab: {  	v5 =	vor.u32 v2, v5  }
0xac: {  	v5 =	vor.u32 s30, v5;
	vm0 =	vgt.f32 v4, $-1.150300030e+00;
	vm1 =	vgt.f32 v4, $-6.744999880e-01  }
0xad: {  	v6 =	vsel vm0, $0x1, v3;
	v7 =	vsel vm1, $0x1, v3;
	vm0 =	vgt.f32 v4, $-3.185999990e-01  }
0xae: {  	v6 =	vadd.s32 v7, v6;
	v7 =	vsel vm0, $0x1, v3;
	vm0 =	vgt.f32 v4, $0.0e+00  }
0xaf: {  	v6 =	vadd.s32 v7, v6;
	v7 =	vsel vm0, $0x1, v3;
	vm0 =	vgt.f32 v4, $3.185999990e-01  }
0xb0: {  	v6 =	vadd.s32 v7, v6;
	v7 =	vsel vm0, $0x1, v3;
	vm0 =	vgt.f32 v4, $6.744999880e-01  }
.Ltmp1:
0xb1: {  	v6 =	vadd.s32 v7, v6;
	v7 =	vsel vm0, $0x1, v3;
	vm0 =	vgt.f32 v4, $1.150300030e+00;
	(pc) =	sbr.rel @p0 .LBB2_4-.Ltmp1, $4  }
0xb2: {  	v4 =	vadd.s32 v7, v6;
	v6 =	vsel vm0, $0x1, v3  }
0xb3: {  	v4 =	vadd.s32 v6, v4  }
0xb4: {  	[tilespmem:s26+$0x0] =	vst v4  }
0xb5: {  	s29 =	sadd.s32 $0x40, s29;
	v4 =	vld.idx.msk [tilespmem:v5+s8+$0x0], $0xffff  }
0xb6: {  	_ =	sdelay $0x3  }
0xb7: {  	vm0 =	vgt.f32 v4, $-1.150300030e+00;
	vm1 =	vgt.f32 v4, $-6.744999880e-01  }
0xb8: {  	vm2 =	vgt.f32 v4, $-3.185999990e-01;
	v5 =	vsel vm0, $0x1, v3;
	v6 =	vsel vm1, $0x1, v3  }
0xb9: {  	vm12 =	vgt.f32 v4, $0.0e+00;
	v61 =	vsel vm2, $0x1, v3;
	v5 =	vadd.s32 v6, v5  }
0xba: {  	vm13 =	vgt.f32 v4, $3.185999990e-01;
	v62 =	vsel vm12, $0x1, v3;
	v5 =	vadd.s32 v61, v5  }
0xbb: {  	vm14 =	vgt.f32 v4, $6.744999880e-01;
	v63 =	vsel vm13, $0x1, v3;
	v5 =	vadd.s32 v62, v5  }
0xbc: {  	vm15 =	vgt.f32 v4, $1.150300030e+00;
	v4 =	vadd.s32 v63, v5;
	v5 =	vsel vm14, $0x1, v3  }
0xbd: {  	s25 =	sadd.s32 $0x1, s25;
	v4 =	vadd.s32 v5, v4;
	v5 =	vsel vm15, $0x1, v3  }
0xbe: {  	p0 =	sne.s32 s25, s6;
	v4 =	vadd.s32 v5, v4  }
.Ltmp2:
0xbf: {  	[tilespmem:s26+$0x10] =	vst v4;
	(pc) =	sbr.rel @p0 .LBB2_1-.Ltmp2, $4  }
0xc0: {  	[hbm4b:s5+s3] =	stream.linear.scatter [tilespmem:s23], [sflag:$0x2], $0x400, $0x38;
	[tilespmem:$0x4800] =	vst v63  }
0xc1: {  	_ =	swait.ge [sflag:s24], $0x400  }
0xc2: {  	[sflag:s24] =	ssyncset.done $0x0  }
0xc3: {  	[sflag:s24] =	ssyncadd.s32 $0xFFFFFC00  }
0xc4: {  	_ =	sfence.sel $0x180000  }
0xc5: {  	[bflag:$0x0] =	sbarrier.arrive $0xFFFF  }
0xc6: {  	_ =	strace $0x90000047  }
0xc7: {  	s0 =	stileid.u32;
	[bflag:$0x2] =	sbarrier.arrive $0xFFFF  }
0xc8: {  	p0 =	sne.s32 s0, $0x0;
	s0 =	rddreg [dreg:$0x2]  }
0xc9: {  	s0 =	sadd.s32 @!p0 $0x100000, s0  }
0xca: {  	[sflag:s0] =	ssyncadd.tile.s32 @!p0 $0x1;
	_ =	shalt  }
.Lfunc_end2:
_tile_overlayer_lowered:
.L_overlay_start_2:
0xcb: {  	(tag) =	ssettag $0x2  }
0xcc: {  	s0 =	rddreg [dreg:$0x0];
	s2 =	stileid.u32  }
0xcd: {  	s1 =	rddreg [dreg:$0x1];
	p0 =	sne.s32 s2, $0x0  }
0xce: {  	s3 =	rddreg [dreg:$0x2];
	[bflag:$0x3] =	sbarrier.arrive $0xFFFF;
	s2 =	simm.s32 @!p0 $0x1C02  }
0xcf: {  	[timem:s3], [sflag:s2] =	dma.local @!p0 [hbm:s0], s1  }
0xd0: {  	s0 =	simm.s32 @!p0 $0x2  }
0xd1: {  	_ =	swait.ge @!p0 [sflag:s0], s1  }
0xd2: {  	s1 =	ssub.s32 @!p0 $0x0, s1;
	[sflag:s0] =	ssyncset.done @!p0 $0x0  }
0xd3: {  	[sflag:s0] =	ssyncadd.s32 @!p0 s1  }
0xd4: {  	[bflag:$0x3] =	sbarrier.arrive $0xFFFF  }
0xd5: {  	_ =	shalt  }

</sc_bundles>
